<compile_context>
chip_gen: v7x
topology: tpu7x:2x2x1
jax: 0.10.2.dev20260603
libtpu: 0.0.44.dev20260713+nightly
codegen_flags: <defaults>
</compile_context>

<pallas_src>
import functools
import math

import jax
import jax.numpy as jnp
from jax import lax
from jax.experimental import pallas as pl
from jax.experimental.pallas import tpu as pltpu
from jax.experimental.pallas import tpu_sc as plsc

_LFREQ = 10000.0
_LANES = 16


def _sinusoidal_pe(length, dm):
    pos = jnp.arange(length, dtype=jnp.float32)[:, None]
    i = jnp.arange(0, dm, 2, dtype=jnp.float32)
    div = jnp.exp(-(jnp.log(_LFREQ)) * i / dm)
    angles = pos * div[None, :]
    pe = jnp.zeros((length, dm), dtype=jnp.float32)
    pe = pe.at[:, 0::2].set(jnp.sin(angles))
    pe = pe.at[:, 1::2].set(jnp.cos(angles))
    return pe


@functools.partial(jax.jit, static_argnames=("bsz", "dm", "length"))
def _embed_sc(idx_t, pe, table, bsz, dm, length):
    info = plsc.get_sparse_core_info()
    nc, ns = info.num_cores, info.num_subcores
    nw = nc * ns
    bw = bsz // nw
    vecs_per_row = dm // _LANES
    scale = jnp.float32(math.sqrt(dm))

    mesh = plsc.VectorSubcoreMesh(core_axis_name="c", subcore_axis_name="s")

    @functools.partial(
        pl.kernel,
        out_type=jax.ShapeDtypeStruct((length, bsz, dm), jnp.float32),
        mesh=mesh,
        scratch_types=[
            pltpu.VMEM((bw,), jnp.int32),
            pltpu.VMEM((bw,), jnp.int32),
            pltpu.VMEM((length, dm), jnp.float32),
            pltpu.VMEM((bw, dm), jnp.float32),
            pltpu.VMEM((bw, dm), jnp.float32),
            pltpu.VMEM((bw, dm), jnp.float32),
            pltpu.VMEM((bw, dm), jnp.float32),
        ]
        + [pltpu.SemaphoreType.DMA] * 7,
    )
    def body(idx_hbm, pe_hbm, table_hbm, out_hbm, ic0, ic1, pe_v,
             x0, x1, y0, y1, i0, i1, g0, g1, o0, o1, psem):
        ics, xs, ys = (ic0, ic1), (x0, x1), (y0, y1)
        isems, gsems, osems = (i0, i1), (g0, g1), (o0, o1)
        wid = lax.axis_index("s") * nc + lax.axis_index("c")
        base_b = wid * bw
        pe_copy = pltpu.make_async_copy(pe_hbm, pe_v, psem)
        pe_copy.start()

        def idx_copy(l, i):
            return pltpu.make_async_copy(
                idx_hbm.at[l, pl.ds(base_b, bw)], ics[i], isems[i]
            )

        def gather(i):
            return pltpu.make_async_copy(
                table_hbm.at[ics[i]], xs[i], gsems[i]
            )

        def out_copy(l, i):
            return pltpu.make_async_copy(
                ys[i], out_hbm.at[l, pl.ds(base_b, bw)], osems[i]
            )

        idx_copy(0, 0).start()
        idx_copy(0, 0).wait()
        gather(0).start()
        idx_copy(1, 1).start()
        pe_copy.wait()

        def step(l, i):
            @pl.when(l + 1 < length)
            def _():
                idx_copy(l + 1, 1 - i).wait()
                gather(1 - i).start()

            gather(i).wait()

            @pl.when(l + 2 < length)
            def _():
                idx_copy(l + 2, i).start()

            @pl.when(l >= 2)
            def _():
                out_copy(l - 2, i).wait()

            x, y = xs[i], ys[i]
            pes = [pe_v[l, pl.ds(j * _LANES, _LANES)]
                   for j in range(vecs_per_row)]

            def row_body(r, _2):
                for j in range(vecs_per_row):
                    sl = pl.ds(j * _LANES, _LANES)
                    y[r, sl] = x[r, sl] * scale + pes[j]
                return 0

            lax.fori_loop(0, bw, row_body, 0)
            out_copy(l, i).start()

        def round_body(k, _):
            step(2 * k, 0)
            step(2 * k + 1, 1)
            return 0

        lax.fori_loop(0, length // 2, round_body, 0)
        out_copy(length - 2, 0).wait()
        out_copy(length - 1, 1).wait()

    return body(idx_t, pe, table)


def kernel(text, embed_table):
    b, l = text.shape
    v, dm = embed_table.shape
    idx_t = text.T.astype(jnp.int32)
    pe = _sinusoidal_pe(l, dm)
    out_t = _embed_sc(idx_t, pe, embed_table, b, dm, l)
    return out_t.transpose(1, 0, 2)

# --- scband reference (transcript-rebuilt; emitter-appended) ---
"""Pipeline reference for scband-embedding-36301063586549 (READ-ONLY COPY).

The authoritative reference and input builder live on the scoring server;
editing this copy changes nothing except your own understanding.
"""

import jax, jax.numpy as jnp
import numpy as np

V = 100000
L = 50
DM = 512
B = 1024
LFREQ = 10000.0


def sinusoidal_pe(length, dm):
    pos = jnp.arange(length, dtype=jnp.float32)[:, None]  # [L, 1]
    i = jnp.arange(0, dm, 2, dtype=jnp.float32)  # [dm/2]
    div = jnp.exp(-(jnp.log(LFREQ)) * i / dm)  # [dm/2]
    angles = pos * div[None, :]  # [L, dm/2]
    pe = jnp.zeros((length, dm), dtype=jnp.float32)
    pe = pe.at[:, 0::2].set(jnp.sin(angles))
    pe = pe.at[:, 1::2].set(jnp.cos(angles))
    return pe


def setup_inputs(seed: int = 0) -> dict:
    key = jax.random.key(seed)
    k_text, k_emb = jax.random.split(key)
    text = jax.random.randint(k_text, (B, L), 0, V)
    # learned embedding table, sized per init_kwargs (V, dm)
    embed_table = jax.random.normal(k_emb, (V, DM), dtype=jnp.float32) * (1.0 / np.sqrt(DM))
    return {"text": text, "embed_table": embed_table}


def reference(text, embed_table):
    # embed lookup, scaled by sqrt(dm)  (eval mode: dropout inactive, train=False)
    dm = embed_table.shape[1]
    scale = jnp.sqrt(jnp.float32(dm))
    embedded = jnp.take(embed_table, text, axis=0) * scale  # [B, L, dm]
    # add positional encoding
    pe = sinusoidal_pe(text.shape[1], dm)  # [L, dm]
    embedded = embedded + pe[None, :, :]
    return embedded

if __name__ == "__main__":
    import jax
    _d = setup_inputs()
    print(jax.jit(kernel)(*tuple(_d.values())))

</pallas_src>

<mosaic_0001>
#map = affine_map<(d0, d1) -> (0, 0)>
#map1 = affine_map<(d0, d1) -> (0)>
#map2 = affine_map<(d0, d1) -> (0, 0, 0)>
module attributes {stable_mosaic.version = 14 : i64} {
  func.func @_rewritten_body(%arg0: i32, %arg1: i32, %arg2: memref<50x1024xi32, #tpu.memory_space<hbm>>, %arg3: memref<50x512xf32, #tpu.memory_space<hbm>>, %arg4: memref<100000x512xf32, #tpu.memory_space<hbm>>, %arg5: memref<1xf32, #tpu.memory_space<hbm>>, %arg6: memref<50x1024x512xf32, #tpu.memory_space<hbm>>, %arg7: memref<32xi32, #tpu.memory_space<vmem>>, %arg8: memref<32xi32, #tpu.memory_space<vmem>>, %arg9: memref<50x512xf32, #tpu.memory_space<vmem>>, %arg10: memref<32x512xf32, #tpu.memory_space<vmem>>, %arg11: memref<32x512xf32, #tpu.memory_space<vmem>>, %arg12: memref<32x512xf32, #tpu.memory_space<vmem>>, %arg13: memref<32x512xf32, #tpu.memory_space<vmem>>, %arg14: memref<!tpu.dma_semaphore, #tpu.memory_space<semaphore_mem>>, %arg15: memref<!tpu.dma_semaphore, #tpu.memory_space<semaphore_mem>>, %arg16: memref<!tpu.dma_semaphore, #tpu.memory_space<semaphore_mem>>, %arg17: memref<!tpu.dma_semaphore, #tpu.memory_space<semaphore_mem>>, %arg18: memref<!tpu.dma_semaphore, #tpu.memory_space<semaphore_mem>>, %arg19: memref<!tpu.dma_semaphore, #tpu.memory_space<semaphore_mem>>, %arg20: memref<!tpu.dma_semaphore, #tpu.memory_space<semaphore_mem>>) attributes {dimension_semantics = [#tpu.dimension_semantics<core_parallel>, #tpu.dimension_semantics<subcore_parallel>], iteration_bounds = array<i64: 2, 16>, scalar_prefetch = 0 : i64, scratch_operands = 14 : i64, tpu.core_type = #tpu.core_type<sc_vector_subcore>, window_params = [{transform_indices = #map}, {transform_indices = #map}, {transform_indices = #map}, {transform_indices = #map1}, {transform_indices = #map2}]} {
    %empty_ref3A = memref.alloca() : memref<16xf32, #tpu.memory_space<vmem>>
    "tpu.region"() ({
      %run_scoped3A = tpu.sem_alloc : memref<!tpu.dma_semaphore, #tpu.memory_space<semaphore_mem>>
      %dma_start3A_41 = arith.constant 0 : i32
      %dma_start3A_42 = tpu.memref_slice %empty_ref3A[%dma_start3A_41] : memref<16xf32, #tpu.memory_space<vmem>> -> memref<1xf32, #tpu.memory_space<vmem>>
      %dma_start3A_43 = arith.constant 0 : i32
      %dma_start3A_44 = tpu.memref_slice %empty_ref3A[%dma_start3A_43] : memref<16xf32, #tpu.memory_space<vmem>> -> memref<1xf32, #tpu.memory_space<vmem>>
      tpu.enqueue_dma source(%arg5 : memref<1xf32, #tpu.memory_space<hbm>>) target(%dma_start3A_44 : memref<1xf32, #tpu.memory_space<vmem>>) target_semaphore(%run_scoped3A : memref<!tpu.dma_semaphore, #tpu.memory_space<semaphore_mem>>)
      %dma_wait3A_45 = arith.constant 0 : i32
      %dma_wait3A_46 = tpu.memref_slice %empty_ref3A[%dma_wait3A_45] : memref<16xf32, #tpu.memory_space<vmem>> -> memref<1xf32, #tpu.memory_space<vmem>>
      %dma_wait3A_47 = arith.constant 0 : i32
      %dma_wait3A_48 = tpu.memref_slice %empty_ref3A[%dma_wait3A_47] : memref<16xf32, #tpu.memory_space<vmem>> -> memref<1xf32, #tpu.memory_space<vmem>>
      tpu.wait_dma2 semaphore(%run_scoped3A : memref<!tpu.dma_semaphore, #tpu.memory_space<semaphore_mem>>) src(%arg5 : memref<1xf32, #tpu.memory_space<hbm>>) dst(%dma_wait3A_48 : memref<1xf32, #tpu.memory_space<vmem>>)
      tpu.yield
    }) : () -> ()
    %get3A = arith.constant 0 : index
    %get3A_0 = tpu.vector_load %empty_ref3A[%get3A] {strides = array<i32>} : memref<16xf32, #tpu.memory_space<vmem>>, vector<16xf32>,
    %get3A_1 = vector.shape_cast %get3A_0 : vector<16xf32> to vector<16xf32>
    %slice3A = vector.extract_strided_slice %get3A_1 {offsets = [0], sizes = [1], strides = [1]} : vector<16xf32> to vector<1xf32>
    %squeeze3A = vector.extract %slice3A[0] : f32 from vector<1xf32>
    %mul3A = arith.constant 2 : i32
    %mul3A_2 = arith.muli %arg1, %mul3A : i32
    %add3A = arith.addi %mul3A_2, %arg0 : i32
    %mul3A_3 = arith.constant 32 : i32
    %mul3A_4 = arith.muli %add3A, %mul3A_3 : i32
    tpu.enqueue_dma source(%arg3 : memref<50x512xf32, #tpu.memory_space<hbm>>) target(%arg9 : memref<50x512xf32, #tpu.memory_space<vmem>>) target_semaphore(%arg20 : memref<!tpu.dma_semaphore, #tpu.memory_space<semaphore_mem>>)
    %dma_start3A = arith.constant 0 : i32
    %dma_start3A_5 = tpu.memref_slice %arg2[%dma_start3A, %mul3A_4] : memref<50x1024xi32, #tpu.memory_space<hbm>> -> memref<1x32xi32, #tpu.memory_space<hbm>>
    %dma_start3A_6 = tpu.memref_squeeze %dma_start3A_5 : memref<1x32xi32, #tpu.memory_space<hbm>> -> memref<32xi32, #tpu.memory_space<hbm>>
    %dma_start3A_7 = tpu.memref_slice %arg2[%dma_start3A, %mul3A_4] : memref<50x1024xi32, #tpu.memory_space<hbm>> -> memref<1x32xi32, #tpu.memory_space<hbm>>
    %dma_start3A_8 = tpu.memref_squeeze %dma_start3A_7 : memref<1x32xi32, #tpu.memory_space<hbm>> -> memref<32xi32, #tpu.memory_space<hbm>>
    tpu.enqueue_dma source(%dma_start3A_8 : memref<32xi32, #tpu.memory_space<hbm>>) target(%arg7 : memref<32xi32, #tpu.memory_space<vmem>>) target_semaphore(%arg14 : memref<!tpu.dma_semaphore, #tpu.memory_space<semaphore_mem>>)
    %dma_wait3A = arith.constant 0 : i32
    %dma_wait3A_9 = tpu.memref_slice %arg2[%dma_wait3A, %mul3A_4] : memref<50x1024xi32, #tpu.memory_space<hbm>> -> memref<1x32xi32, #tpu.memory_space<hbm>>
    %dma_wait3A_10 = tpu.memref_squeeze %dma_wait3A_9 : memref<1x32xi32, #tpu.memory_space<hbm>> -> memref<32xi32, #tpu.memory_space<hbm>>
    %dma_wait3A_11 = tpu.memref_slice %arg2[%dma_wait3A, %mul3A_4] : memref<50x1024xi32, #tpu.memory_space<hbm>> -> memref<1x32xi32, #tpu.memory_space<hbm>>
    %dma_wait3A_12 = tpu.memref_squeeze %dma_wait3A_11 : memref<1x32xi32, #tpu.memory_space<hbm>> -> memref<32xi32, #tpu.memory_space<hbm>>
    tpu.wait_dma2 semaphore(%arg14 : memref<!tpu.dma_semaphore, #tpu.memory_space<semaphore_mem>>) src(%dma_wait3A_12 : memref<32xi32, #tpu.memory_space<hbm>>) dst(%arg7 : memref<32xi32, #tpu.memory_space<vmem>>)
    %dma_start3A_13 = arith.constant 0 : i32
    %dma_start3A_14 = arith.constant 0 : i32
    %dma_start3A_15 = tpu.memref_slice %arg4[%dma_start3A_13, %dma_start3A_14] : memref<100000x512xf32, #tpu.memory_space<hbm>> -> memref<100000x512xf32, #tpu.memory_space<hbm>>
    tpu.enqueue_indirect_dma source(%dma_start3A_15 : memref<100000x512xf32, #tpu.memory_space<hbm>>) target(%arg10 : memref<32x512xf32, #tpu.memory_space<vmem>>) offsets(%arg7 : memref<32xi32, #tpu.memory_space<vmem>>) semaphore(%arg16 : memref<!tpu.dma_semaphore, #tpu.memory_space<semaphore_mem>>)
    %dma_start3A_16 = arith.constant 1 : i32
    %dma_start3A_17 = tpu.memref_slice %arg2[%dma_start3A_16, %mul3A_4] : memref<50x1024xi32, #tpu.memory_space<hbm>> -> memref<1x32xi32, #tpu.memory_space<hbm>>
    %dma_start3A_18 = tpu.memref_squeeze %dma_start3A_17 : memref<1x32xi32, #tpu.memory_space<hbm>> -> memref<32xi32, #tpu.memory_space<hbm>>
    %dma_start3A_19 = tpu.memref_slice %arg2[%dma_start3A_16, %mul3A_4] : memref<50x1024xi32, #tpu.memory_space<hbm>> -> memref<1x32xi32, #tpu.memory_space<hbm>>
    %dma_start3A_20 = tpu.memref_squeeze %dma_start3A_19 : memref<1x32xi32, #tpu.memory_space<hbm>> -> memref<32xi32, #tpu.memory_space<hbm>>
    tpu.enqueue_dma source(%dma_start3A_20 : memref<32xi32, #tpu.memory_space<hbm>>) target(%arg8 : memref<32xi32, #tpu.memory_space<vmem>>) target_semaphore(%arg15 : memref<!tpu.dma_semaphore, #tpu.memory_space<semaphore_mem>>)
    tpu.wait_dma2 semaphore(%arg20 : memref<!tpu.dma_semaphore, #tpu.memory_space<semaphore_mem>>) src(%arg3 : memref<50x512xf32, #tpu.memory_space<hbm>>) dst(%arg9 : memref<50x512xf32, #tpu.memory_space<vmem>>)
    %scan3A = arith.constant 0 : i32
    %scan3A_21 = arith.constant 0 : i32
    %scan3A_22 = arith.constant 25 : i32
    %scan3A_23 = arith.addi %scan3A_21, %scan3A_22 : i32
    %scan3A_24 = arith.constant 1 : i32
    %scan3A_25 = scf.for %scan3A_41 = %scan3A_21 to %scan3A_23 step %scan3A_24 iter_args(%scan3A_42 = %scan3A) -> (i32)  : i32 {
      %mul3A_43 = arith.constant 2 : i32
      %mul3A_44 = arith.muli %mul3A_43, %scan3A_41 : i32
      %add3A_45 = arith.constant 1 : i32
      %add3A_46 = arith.addi %mul3A_44, %add3A_45 : i32
      %lt3A = arith.constant 50 : i32
      %lt3A_47 = arith.cmpi slt, %add3A_46, %lt3A : i32
      %convert_element_type3A = arith.extui %lt3A_47 : i1 to i32
      %cond3A = arith.constant 0 : i32
      %cond3A_48 = arith.cmpi ne, %convert_element_type3A, %cond3A : i32
      scf.if %cond3A_48 {
        %add3A_372 = arith.constant 1 : i32
        %add3A_373 = arith.addi %mul3A_44, %add3A_372 : i32
        %dma_wait3A_374 = tpu.memref_slice %arg2[%add3A_373, %mul3A_4] : memref<50x1024xi32, #tpu.memory_space<hbm>> -> memref<1x32xi32, #tpu.memory_space<hbm>>
        %dma_wait3A_375 = tpu.memref_squeeze %dma_wait3A_374 : memref<1x32xi32, #tpu.memory_space<hbm>> -> memref<32xi32, #tpu.memory_space<hbm>>
        %dma_wait3A_376 = tpu.memref_slice %arg2[%add3A_373, %mul3A_4] : memref<50x1024xi32, #tpu.memory_space<hbm>> -> memref<1x32xi32, #tpu.memory_space<hbm>>
        %dma_wait3A_377 = tpu.memref_squeeze %dma_wait3A_376 : memref<1x32xi32, #tpu.memory_space<hbm>> -> memref<32xi32, #tpu.memory_space<hbm>>
        tpu.wait_dma2 semaphore(%arg15 : memref<!tpu.dma_semaphore, #tpu.memory_space<semaphore_mem>>) src(%dma_wait3A_377 : memref<32xi32, #tpu.memory_space<hbm>>) dst(%arg8 : memref<32xi32, #tpu.memory_space<vmem>>)
        %dma_start3A_378 = arith.constant 0 : i32
        %dma_start3A_379 = arith.constant 0 : i32
        %dma_start3A_380 = tpu.memref_slice %arg4[%dma_start3A_378, %dma_start3A_379] : memref<100000x512xf32, #tpu.memory_space<hbm>> -> memref<100000x512xf32, #tpu.memory_space<hbm>>
        tpu.enqueue_indirect_dma source(%dma_start3A_380 : memref<100000x512xf32, #tpu.memory_space<hbm>>) target(%arg11 : memref<32x512xf32, #tpu.memory_space<vmem>>) offsets(%arg8 : memref<32xi32, #tpu.memory_space<vmem>>) semaphore(%arg17 : memref<!tpu.dma_semaphore, #tpu.memory_space<semaphore_mem>>)
      } else {
      }
      %dma_wait3A_49 = arith.constant 0 : i32
      %dma_wait3A_50 = arith.constant 0 : i32
      %dma_wait3A_51 = tpu.memref_slice %arg4[%dma_wait3A_49, %dma_wait3A_50] : memref<100000x512xf32, #tpu.memory_space<hbm>> -> memref<100000x512xf32, #tpu.memory_space<hbm>>
      tpu.wait_indirect_dma semaphore(%arg16 : memref<!tpu.dma_semaphore, #tpu.memory_space<semaphore_mem>>) src(%dma_wait3A_51 : memref<100000x512xf32, #tpu.memory_space<hbm>>) dst(%arg10 : memref<32x512xf32, #tpu.memory_space<vmem>>)
      %add3A_52 = arith.constant 2 : i32
      %add3A_53 = arith.addi %mul3A_44, %add3A_52 : i32
      %lt3A_54 = arith.constant 50 : i32
      %lt3A_55 = arith.cmpi slt, %add3A_53, %lt3A_54 : i32
      %convert_element_type3A_56 = arith.extui %lt3A_55 : i1 to i32
      %cond3A_57 = arith.constant 0 : i32
      %cond3A_58 = arith.cmpi ne, %convert_element_type3A_56, %cond3A_57 : i32
      scf.if %cond3A_58 {
        %add3A_372 = arith.constant 2 : i32
        %add3A_373 = arith.addi %mul3A_44, %add3A_372 : i32
        %dma_start3A_374 = tpu.memref_slice %arg2[%add3A_373, %mul3A_4] : memref<50x1024xi32, #tpu.memory_space<hbm>> -> memref<1x32xi32, #tpu.memory_space<hbm>>
        %dma_start3A_375 = tpu.memref_squeeze %dma_start3A_374 : memref<1x32xi32, #tpu.memory_space<hbm>> -> memref<32xi32, #tpu.memory_space<hbm>>
        %dma_start3A_376 = tpu.memref_slice %arg2[%add3A_373, %mul3A_4] : memref<50x1024xi32, #tpu.memory_space<hbm>> -> memref<1x32xi32, #tpu.memory_space<hbm>>
        %dma_start3A_377 = tpu.memref_squeeze %dma_start3A_376 : memref<1x32xi32, #tpu.memory_space<hbm>> -> memref<32xi32, #tpu.memory_space<hbm>>
        tpu.enqueue_dma source(%dma_start3A_377 : memref<32xi32, #tpu.memory_space<hbm>>) target(%arg7 : memref<32xi32, #tpu.memory_space<vmem>>) target_semaphore(%arg14 : memref<!tpu.dma_semaphore, #tpu.memory_space<semaphore_mem>>)
      } else {
      }
      %ge3A = arith.constant 2 : i32
      %ge3A_59 = arith.cmpi sge, %mul3A_44, %ge3A : i32
      %convert_element_type3A_60 = arith.extui %ge3A_59 : i1 to i32
      %cond3A_61 = arith.constant 0 : i32
      %cond3A_62 = arith.cmpi ne, %convert_element_type3A_60, %cond3A_61 : i32
      scf.if %cond3A_62 {
        %sub3A = arith.constant 2 : i32
        %sub3A_372 = arith.subi %mul3A_44, %sub3A : i32
        %dma_wait3A_373 = arith.constant 0 : i32
        %dma_wait3A_374 = tpu.memref_slice %arg6[%sub3A_372, %mul3A_4, %dma_wait3A_373] : memref<50x1024x512xf32, #tpu.memory_space<hbm>> -> memref<1x32x512xf32, #tpu.memory_space<hbm>>
        %dma_wait3A_375 = tpu.memref_squeeze %dma_wait3A_374 : memref<1x32x512xf32, #tpu.memory_space<hbm>> -> memref<32x512xf32, #tpu.memory_space<hbm>>
        %dma_wait3A_376 = arith.constant 0 : i32
        %dma_wait3A_377 = tpu.memref_slice %arg6[%sub3A_372, %mul3A_4, %dma_wait3A_376] : memref<50x1024x512xf32, #tpu.memory_space<hbm>> -> memref<1x32x512xf32, #tpu.memory_space<hbm>>
        %dma_wait3A_378 = tpu.memref_squeeze %dma_wait3A_377 : memref<1x32x512xf32, #tpu.memory_space<hbm>> -> memref<32x512xf32, #tpu.memory_space<hbm>>
        tpu.wait_dma2 semaphore(%arg18 : memref<!tpu.dma_semaphore, #tpu.memory_space<semaphore_mem>>) src(%arg12 : memref<32x512xf32, #tpu.memory_space<vmem>>) dst(%dma_wait3A_378 : memref<32x512xf32, #tpu.memory_space<hbm>>)
      } else {
      }
      %get3A_63 = arith.index_cast %mul3A_44 : i32 to index
      %get3A_64 = arith.constant 0 : index
      %get3A_65 = tpu.vector_load %arg9[%get3A_63, %get3A_64] {strides = array<i32>} : memref<50x512xf32, #tpu.memory_space<vmem>>, vector<1x16xf32>,
      %get3A_66 = vector.shape_cast %get3A_65 : vector<1x16xf32> to vector<16xf32>
      %get3A_67 = arith.index_cast %mul3A_44 : i32 to index
      %get3A_68 = arith.constant 16 : index
      %get3A_69 = tpu.vector_load %arg9[%get3A_67, %get3A_68] {strides = array<i32>} : memref<50x512xf32, #tpu.memory_space<vmem>>, vector<1x16xf32>,
      %get3A_70 = vector.shape_cast %get3A_69 : vector<1x16xf32> to vector<16xf32>
      %get3A_71 = arith.index_cast %mul3A_44 : i32 to index
      %get3A_72 = arith.constant 32 : index
      %get3A_73 = tpu.vector_load %arg9[%get3A_71, %get3A_72] {strides = array<i32>} : memref<50x512xf32, #tpu.memory_space<vmem>>, vector<1x16xf32>,
      %get3A_74 = vector.shape_cast %get3A_73 : vector<1x16xf32> to vector<16xf32>
      %get3A_75 = arith.index_cast %mul3A_44 : i32 to index
      %get3A_76 = arith.constant 48 : index
      %get3A_77 = tpu.vector_load %arg9[%get3A_75, %get3A_76] {strides = array<i32>} : memref<50x512xf32, #tpu.memory_space<vmem>>, vector<1x16xf32>,
      %get3A_78 = vector.shape_cast %get3A_77 : vector<1x16xf32> to vector<16xf32>
      %get3A_79 = arith.index_cast %mul3A_44 : i32 to index
      %get3A_80 = arith.constant 64 : index
      %get3A_81 = tpu.vector_load %arg9[%get3A_79, %get3A_80] {strides = array<i32>} : memref<50x512xf32, #tpu.memory_space<vmem>>, vector<1x16xf32>,
      %get3A_82 = vector.shape_cast %get3A_81 : vector<1x16xf32> to vector<16xf32>
      %get3A_83 = arith.index_cast %mul3A_44 : i32 to index
      %get3A_84 = arith.constant 80 : index
      %get3A_85 = tpu.vector_load %arg9[%get3A_83, %get3A_84] {strides = array<i32>} : memref<50x512xf32, #tpu.memory_space<vmem>>, vector<1x16xf32>,
      %get3A_86 = vector.shape_cast %get3A_85 : vector<1x16xf32> to vector<16xf32>
      %get3A_87 = arith.index_cast %mul3A_44 : i32 to index
      %get3A_88 = arith.constant 96 : index
      %get3A_89 = tpu.vector_load %arg9[%get3A_87, %get3A_88] {strides = array<i32>} : memref<50x512xf32, #tpu.memory_space<vmem>>, vector<1x16xf32>,
      %get3A_90 = vector.shape_cast %get3A_89 : vector<1x16xf32> to vector<16xf32>
      %get3A_91 = arith.index_cast %mul3A_44 : i32 to index
      %get3A_92 = arith.constant 112 : index
      %get3A_93 = tpu.vector_load %arg9[%get3A_91, %get3A_92] {strides = array<i32>} : memref<50x512xf32, #tpu.memory_space<vmem>>, vector<1x16xf32>,
      %get3A_94 = vector.shape_cast %get3A_93 : vector<1x16xf32> to vector<16xf32>
      %get3A_95 = arith.index_cast %mul3A_44 : i32 to index
      %get3A_96 = arith.constant 128 : index
      %get3A_97 = tpu.vector_load %arg9[%get3A_95, %get3A_96] {strides = array<i32>} : memref<50x512xf32, #tpu.memory_space<vmem>>, vector<1x16xf32>,
      %get3A_98 = vector.shape_cast %get3A_97 : vector<1x16xf32> to vector<16xf32>
      %get3A_99 = arith.index_cast %mul3A_44 : i32 to index
      %get3A_100 = arith.constant 144 : index
      %get3A_101 = tpu.vector_load %arg9[%get3A_99, %get3A_100] {strides = array<i32>} : memref<50x512xf32, #tpu.memory_space<vmem>>, vector<1x16xf32>,
      %get3A_102 = vector.shape_cast %get3A_101 : vector<1x16xf32> to vector<16xf32>
      %get3A_103 = arith.index_cast %mul3A_44 : i32 to index
      %get3A_104 = arith.constant 160 : index
      %get3A_105 = tpu.vector_load %arg9[%get3A_103, %get3A_104] {strides = array<i32>} : memref<50x512xf32, #tpu.memory_space<vmem>>, vector<1x16xf32>,
      %get3A_106 = vector.shape_cast %get3A_105 : vector<1x16xf32> to vector<16xf32>
      %get3A_107 = arith.index_cast %mul3A_44 : i32 to index
      %get3A_108 = arith.constant 176 : index
      %get3A_109 = tpu.vector_load %arg9[%get3A_107, %get3A_108] {strides = array<i32>} : memref<50x512xf32, #tpu.memory_space<vmem>>, vector<1x16xf32>,
      %get3A_110 = vector.shape_cast %get3A_109 : vector<1x16xf32> to vector<16xf32>
      %get3A_111 = arith.index_cast %mul3A_44 : i32 to index
      %get3A_112 = arith.constant 192 : index
      %get3A_113 = tpu.vector_load %arg9[%get3A_111, %get3A_112] {strides = array<i32>} : memref<50x512xf32, #tpu.memory_space<vmem>>, vector<1x16xf32>,
      %get3A_114 = vector.shape_cast %get3A_113 : vector<1x16xf32> to vector<16xf32>
      %get3A_115 = arith.index_cast %mul3A_44 : i32 to index
      %get3A_116 = arith.constant 208 : index
      %get3A_117 = tpu.vector_load %arg9[%get3A_115, %get3A_116] {strides = array<i32>} : memref<50x512xf32, #tpu.memory_space<vmem>>, vector<1x16xf32>,
      %get3A_118 = vector.shape_cast %get3A_117 : vector<1x16xf32> to vector<16xf32>
      %get3A_119 = arith.index_cast %mul3A_44 : i32 to index
      %get3A_120 = arith.constant 224 : index
      %get3A_121 = tpu.vector_load %arg9[%get3A_119, %get3A_120] {strides = array<i32>} : memref<50x512xf32, #tpu.memory_space<vmem>>, vector<1x16xf32>,
      %get3A_122 = vector.shape_cast %get3A_121 : vector<1x16xf32> to vector<16xf32>
      %get3A_123 = arith.index_cast %mul3A_44 : i32 to index
      %get3A_124 = arith.constant 240 : index
      %get3A_125 = tpu.vector_load %arg9[%get3A_123, %get3A_124] {strides = array<i32>} : memref<50x512xf32, #tpu.memory_space<vmem>>, vector<1x16xf32>,
      %get3A_126 = vector.shape_cast %get3A_125 : vector<1x16xf32> to vector<16xf32>
      %get3A_127 = arith.index_cast %mul3A_44 : i32 to index
      %get3A_128 = arith.constant 256 : index
      %get3A_129 = tpu.vector_load %arg9[%get3A_127, %get3A_128] {strides = array<i32>} : memref<50x512xf32, #tpu.memory_space<vmem>>, vector<1x16xf32>,
      %get3A_130 = vector.shape_cast %get3A_129 : vector<1x16xf32> to vector<16xf32>
      %get3A_131 = arith.index_cast %mul3A_44 : i32 to index
      %get3A_132 = arith.constant 272 : index
      %get3A_133 = tpu.vector_load %arg9[%get3A_131, %get3A_132] {strides = array<i32>} : memref<50x512xf32, #tpu.memory_space<vmem>>, vector<1x16xf32>,
      %get3A_134 = vector.shape_cast %get3A_133 : vector<1x16xf32> to vector<16xf32>
      %get3A_135 = arith.index_cast %mul3A_44 : i32 to index
      %get3A_136 = arith.constant 288 : index
      %get3A_137 = tpu.vector_load %arg9[%get3A_135, %get3A_136] {strides = array<i32>} : memref<50x512xf32, #tpu.memory_space<vmem>>, vector<1x16xf32>,
      %get3A_138 = vector.shape_cast %get3A_137 : vector<1x16xf32> to vector<16xf32>
      %get3A_139 = arith.index_cast %mul3A_44 : i32 to index
      %get3A_140 = arith.constant 304 : index
      %get3A_141 = tpu.vector_load %arg9[%get3A_139, %get3A_140] {strides = array<i32>} : memref<50x512xf32, #tpu.memory_space<vmem>>, vector<1x16xf32>,
      %get3A_142 = vector.shape_cast %get3A_141 : vector<1x16xf32> to vector<16xf32>
      %get3A_143 = arith.index_cast %mul3A_44 : i32 to index
      %get3A_144 = arith.constant 320 : index
      %get3A_145 = tpu.vector_load %arg9[%get3A_143, %get3A_144] {strides = array<i32>} : memref<50x512xf32, #tpu.memory_space<vmem>>, vector<1x16xf32>,
      %get3A_146 = vector.shape_cast %get3A_145 : vector<1x16xf32> to vector<16xf32>
      %get3A_147 = arith.index_cast %mul3A_44 : i32 to index
      %get3A_148 = arith.constant 336 : index
      %get3A_149 = tpu.vector_load %arg9[%get3A_147, %get3A_148] {strides = array<i32>} : memref<50x512xf32, #tpu.memory_space<vmem>>, vector<1x16xf32>,
      %get3A_150 = vector.shape_cast %get3A_149 : vector<1x16xf32> to vector<16xf32>
      %get3A_151 = arith.index_cast %mul3A_44 : i32 to index
      %get3A_152 = arith.constant 352 : index
      %get3A_153 = tpu.vector_load %arg9[%get3A_151, %get3A_152] {strides = array<i32>} : memref<50x512xf32, #tpu.memory_space<vmem>>, vector<1x16xf32>,
      %get3A_154 = vector.shape_cast %get3A_153 : vector<1x16xf32> to vector<16xf32>
      %get3A_155 = arith.index_cast %mul3A_44 : i32 to index
      %get3A_156 = arith.constant 368 : index
      %get3A_157 = tpu.vector_load %arg9[%get3A_155, %get3A_156] {strides = array<i32>} : memref<50x512xf32, #tpu.memory_space<vmem>>, vector<1x16xf32>,
      %get3A_158 = vector.shape_cast %get3A_157 : vector<1x16xf32> to vector<16xf32>
      %get3A_159 = arith.index_cast %mul3A_44 : i32 to index
      %get3A_160 = arith.constant 384 : index
      %get3A_161 = tpu.vector_load %arg9[%get3A_159, %get3A_160] {strides = array<i32>} : memref<50x512xf32, #tpu.memory_space<vmem>>, vector<1x16xf32>,
      %get3A_162 = vector.shape_cast %get3A_161 : vector<1x16xf32> to vector<16xf32>
      %get3A_163 = arith.index_cast %mul3A_44 : i32 to index
      %get3A_164 = arith.constant 400 : index
      %get3A_165 = tpu.vector_load %arg9[%get3A_163, %get3A_164] {strides = array<i32>} : memref<50x512xf32, #tpu.memory_space<vmem>>, vector<1x16xf32>,
      %get3A_166 = vector.shape_cast %get3A_165 : vector<1x16xf32> to vector<16xf32>
      %get3A_167 = arith.index_cast %mul3A_44 : i32 to index
      %get3A_168 = arith.constant 416 : index
      %get3A_169 = tpu.vector_load %arg9[%get3A_167, %get3A_168] {strides = array<i32>} : memref<50x512xf32, #tpu.memory_space<vmem>>, vector<1x16xf32>,
      %get3A_170 = vector.shape_cast %get3A_169 : vector<1x16xf32> to vector<16xf32>
      %get3A_171 = arith.index_cast %mul3A_44 : i32 to index
      %get3A_172 = arith.constant 432 : index
      %get3A_173 = tpu.vector_load %arg9[%get3A_171, %get3A_172] {strides = array<i32>} : memref<50x512xf32, #tpu.memory_space<vmem>>, vector<1x16xf32>,
      %get3A_174 = vector.shape_cast %get3A_173 : vector<1x16xf32> to vector<16xf32>
      %get3A_175 = arith.index_cast %mul3A_44 : i32 to index
      %get3A_176 = arith.constant 448 : index
      %get3A_177 = tpu.vector_load %arg9[%get3A_175, %get3A_176] {strides = array<i32>} : memref<50x512xf32, #tpu.memory_space<vmem>>, vector<1x16xf32>,
      %get3A_178 = vector.shape_cast %get3A_177 : vector<1x16xf32> to vector<16xf32>
      %get3A_179 = arith.index_cast %mul3A_44 : i32 to index
      %get3A_180 = arith.constant 464 : index
      %get3A_181 = tpu.vector_load %arg9[%get3A_179, %get3A_180] {strides = array<i32>} : memref<50x512xf32, #tpu.memory_space<vmem>>, vector<1x16xf32>,
      %get3A_182 = vector.shape_cast %get3A_181 : vector<1x16xf32> to vector<16xf32>
      %get3A_183 = arith.index_cast %mul3A_44 : i32 to index
      %get3A_184 = arith.constant 480 : index
      %get3A_185 = tpu.vector_load %arg9[%get3A_183, %get3A_184] {strides = array<i32>} : memref<50x512xf32, #tpu.memory_space<vmem>>, vector<1x16xf32>,
      %get3A_186 = vector.shape_cast %get3A_185 : vector<1x16xf32> to vector<16xf32>
      %get3A_187 = arith.index_cast %mul3A_44 : i32 to index
      %get3A_188 = arith.constant 496 : index
      %get3A_189 = tpu.vector_load %arg9[%get3A_187, %get3A_188] {strides = array<i32>} : memref<50x512xf32, #tpu.memory_space<vmem>>, vector<1x16xf32>,
      %get3A_190 = vector.shape_cast %get3A_189 : vector<1x16xf32> to vector<16xf32>
      %scan3A_191 = arith.constant 0 : i32
      %scan3A_192 = arith.constant 0 : i32
      %scan3A_193 = arith.constant 32 : i32
      %scan3A_194 = arith.addi %scan3A_192, %scan3A_193 : i32
      %scan3A_195 = arith.constant 1 : i32
      %scan3A_196 = scf.for %scan3A_372 = %scan3A_192 to %scan3A_194 step %scan3A_195 iter_args(%scan3A_373 = %scan3A_191) -> (i32)  : i32 {
        %get3A_374 = arith.index_cast %scan3A_372 : i32 to index
        %get3A_375 = arith.constant 0 : index
        %get3A_376 = tpu.vector_load %arg10[%get3A_374, %get3A_375] {strides = array<i32>} : memref<32x512xf32, #tpu.memory_space<vmem>>, vector<1x16xf32>,
        %get3A_377 = vector.shape_cast %get3A_376 : vector<1x16xf32> to vector<16xf32>
        %mul3A_378 = vector.broadcast %squeeze3A : f32 to vector<16xf32>
        %mul3A_379 = arith.mulf %get3A_377, %mul3A_378 : vector<16xf32>
        %add3A_380 = arith.addf %mul3A_379, %get3A_66 : vector<16xf32>
        %swap3A = arith.index_cast %scan3A_372 : i32 to index
        %swap3A_381 = arith.constant 0 : index
        %swap3A_382 = tpu.vector_load %arg12[%swap3A, %swap3A_381] {strides = array<i32>} : memref<32x512xf32, #tpu.memory_space<vmem>>, vector<1x16xf32>,
        %swap3A_383 = vector.shape_cast %swap3A_382 : vector<1x16xf32> to vector<16xf32>
        %swap3A_384 = vector.shape_cast %add3A_380 : vector<16xf32> to vector<1x16xf32>
        tpu.vector_store %arg12[%swap3A, %swap3A_381], %swap3A_384 {strides = array<i32>} : memref<32x512xf32, #tpu.memory_space<vmem>>, vector<1x16xf32>,
        %get3A_385 = arith.index_cast %scan3A_372 : i32 to index
        %get3A_386 = arith.constant 16 : index
        %get3A_387 = tpu.vector_load %arg10[%get3A_385, %get3A_386] {strides = array<i32>} : memref<32x512xf32, #tpu.memory_space<vmem>>, vector<1x16xf32>,
        %get3A_388 = vector.shape_cast %get3A_387 : vector<1x16xf32> to vector<16xf32>
        %mul3A_389 = vector.broadcast %squeeze3A : f32 to vector<16xf32>
        %mul3A_390 = arith.mulf %get3A_388, %mul3A_389 : vector<16xf32>
        %add3A_391 = arith.addf %mul3A_390, %get3A_70 : vector<16xf32>
        %swap3A_392 = arith.index_cast %scan3A_372 : i32 to index
        %swap3A_393 = arith.constant 16 : index
        %swap3A_394 = tpu.vector_load %arg12[%swap3A_392, %swap3A_393] {strides = array<i32>} : memref<32x512xf32, #tpu.memory_space<vmem>>, vector<1x16xf32>,
        %swap3A_395 = vector.shape_cast %swap3A_394 : vector<1x16xf32> to vector<16xf32>
        %swap3A_396 = vector.shape_cast %add3A_391 : vector<16xf32> to vector<1x16xf32>
        tpu.vector_store %arg12[%swap3A_392, %swap3A_393], %swap3A_396 {strides = array<i32>} : memref<32x512xf32, #tpu.memory_space<vmem>>, vector<1x16xf32>,
        %get3A_397 = arith.index_cast %scan3A_372 : i32 to index
        %get3A_398 = arith.constant 32 : index
        %get3A_399 = tpu.vector_load %arg10[%get3A_397, %get3A_398] {strides = array<i32>} : memref<32x512xf32, #tpu.memory_space<vmem>>, vector<1x16xf32>,
        %get3A_400 = vector.shape_cast %get3A_399 : vector<1x16xf32> to vector<16xf32>
        %mul3A_401 = vector.broadcast %squeeze3A : f32 to vector<16xf32>
        %mul3A_402 = arith.mulf %get3A_400, %mul3A_401 : vector<16xf32>
        %add3A_403 = arith.addf %mul3A_402, %get3A_74 : vector<16xf32>
        %swap3A_404 = arith.index_cast %scan3A_372 : i32 to index
        %swap3A_405 = arith.constant 32 : index
        %swap3A_406 = tpu.vector_load %arg12[%swap3A_404, %swap3A_405] {strides = array<i32>} : memref<32x512xf32, #tpu.memory_space<vmem>>, vector<1x16xf32>,
        %swap3A_407 = vector.shape_cast %swap3A_406 : vector<1x16xf32> to vector<16xf32>
        %swap3A_408 = vector.shape_cast %add3A_403 : vector<16xf32> to vector<1x16xf32>
        tpu.vector_store %arg12[%swap3A_404, %swap3A_405], %swap3A_408 {strides = array<i32>} : memref<32x512xf32, #tpu.memory_space<vmem>>, vector<1x16xf32>,
        %get3A_409 = arith.index_cast %scan3A_372 : i32 to index
        %get3A_410 = arith.constant 48 : index
        %get3A_411 = tpu.vector_load %arg10[%get3A_409, %get3A_410] {strides = array<i32>} : memref<32x512xf32, #tpu.memory_space<vmem>>, vector<1x16xf32>,
        %get3A_412 = vector.shape_cast %get3A_411 : vector<1x16xf32> to vector<16xf32>
        %mul3A_413 = vector.broadcast %squeeze3A : f32 to vector<16xf32>
        %mul3A_414 = arith.mulf %get3A_412, %mul3A_413 : vector<16xf32>
        %add3A_415 = arith.addf %mul3A_414, %get3A_78 : vector<16xf32>
        %swap3A_416 = arith.index_cast %scan3A_372 : i32 to index
        %swap3A_417 = arith.constant 48 : index
        %swap3A_418 = tpu.vector_load %arg12[%swap3A_416, %swap3A_417] {strides = array<i32>} : memref<32x512xf32, #tpu.memory_space<vmem>>, vector<1x16xf32>,
        %swap3A_419 = vector.shape_cast %swap3A_418 : vector<1x16xf32> to vector<16xf32>
        %swap3A_420 = vector.shape_cast %add3A_415 : vector<16xf32> to vector<1x16xf32>
        tpu.vector_store %arg12[%swap3A_416, %swap3A_417], %swap3A_420 {strides = array<i32>} : memref<32x512xf32, #tpu.memory_space<vmem>>, vector<1x16xf32>,
        %get3A_421 = arith.index_cast %scan3A_372 : i32 to index
        %get3A_422 = arith.constant 64 : index
        %get3A_423 = tpu.vector_load %arg10[%get3A_421, %get3A_422] {strides = array<i32>} : memref<32x512xf32, #tpu.memory_space<vmem>>, vector<1x16xf32>,
        %get3A_424 = vector.shape_cast %get3A_423 : vector<1x16xf32> to vector<16xf32>
        %mul3A_425 = vector.broadcast %squeeze3A : f32 to vector<16xf32>
        %mul3A_426 = arith.mulf %get3A_424, %mul3A_425 : vector<16xf32>
        %add3A_427 = arith.addf %mul3A_426, %get3A_82 : vector<16xf32>
        %swap3A_428 = arith.index_cast %scan3A_372 : i32 to index
        %swap3A_429 = arith.constant 64 : index
        %swap3A_430 = tpu.vector_load %arg12[%swap3A_428, %swap3A_429] {strides = array<i32>} : memref<32x512xf32, #tpu.memory_space<vmem>>, vector<1x16xf32>,
        %swap3A_431 = vector.shape_cast %swap3A_430 : vector<1x16xf32> to vector<16xf32>
        %swap3A_432 = vector.shape_cast %add3A_427 : vector<16xf32> to vector<1x16xf32>
        tpu.vector_store %arg12[%swap3A_428, %swap3A_429], %swap3A_432 {strides = array<i32>} : memref<32x512xf32, #tpu.memory_space<vmem>>, vector<1x16xf32>,
        %get3A_433 = arith.index_cast %scan3A_372 : i32 to index
        %get3A_434 = arith.constant 80 : index
        %get3A_435 = tpu.vector_load %arg10[%get3A_433, %get3A_434] {strides = array<i32>} : memref<32x512xf32, #tpu.memory_space<vmem>>, vector<1x16xf32>,
        %get3A_436 = vector.shape_cast %get3A_435 : vector<1x16xf32> to vector<16xf32>
        %mul3A_437 = vector.broadcast %squeeze3A : f32 to vector<16xf32>
        %mul3A_438 = arith.mulf %get3A_436, %mul3A_437 : vector<16xf32>
        %add3A_439 = arith.addf %mul3A_438, %get3A_86 : vector<16xf32>
        %swap3A_440 = arith.index_cast %scan3A_372 : i32 to index
        %swap3A_441 = arith.constant 80 : index
        %swap3A_442 = tpu.vector_load %arg12[%swap3A_440, %swap3A_441] {strides = array<i32>} : memref<32x512xf32, #tpu.memory_space<vmem>>, vector<1x16xf32>,
        %swap3A_443 = vector.shape_cast %swap3A_442 : vector<1x16xf32> to vector<16xf32>
        %swap3A_444 = vector.shape_cast %add3A_439 : vector<16xf32> to vector<1x16xf32>
        tpu.vector_store %arg12[%swap3A_440, %swap3A_441], %swap3A_444 {strides = array<i32>} : memref<32x512xf32, #tpu.memory_space<vmem>>, vector<1x16xf32>,
        %get3A_445 = arith.index_cast %scan3A_372 : i32 to index
        %get3A_446 = arith.constant 96 : index
        %get3A_447 = tpu.vector_load %arg10[%get3A_445, %get3A_446] {strides = array<i32>} : memref<32x512xf32, #tpu.memory_space<vmem>>, vector<1x16xf32>,
        %get3A_448 = vector.shape_cast %get3A_447 : vector<1x16xf32> to vector<16xf32>
        %mul3A_449 = vector.broadcast %squeeze3A : f32 to vector<16xf32>
        %mul3A_450 = arith.mulf %get3A_448, %mul3A_449 : vector<16xf32>
        %add3A_451 = arith.addf %mul3A_450, %get3A_90 : vector<16xf32>
        %swap3A_452 = arith.index_cast %scan3A_372 : i32 to index
        %swap3A_453 = arith.constant 96 : index
        %swap3A_454 = tpu.vector_load %arg12[%swap3A_452, %swap3A_453] {strides = array<i32>} : memref<32x512xf32, #tpu.memory_space<vmem>>, vector<1x16xf32>,
        %swap3A_455 = vector.shape_cast %swap3A_454 : vector<1x16xf32> to vector<16xf32>
        %swap3A_456 = vector.shape_cast %add3A_451 : vector<16xf32> to vector<1x16xf32>
        tpu.vector_store %arg12[%swap3A_452, %swap3A_453], %swap3A_456 {strides = array<i32>} : memref<32x512xf32, #tpu.memory_space<vmem>>, vector<1x16xf32>,
        %get3A_457 = arith.index_cast %scan3A_372 : i32 to index
        %get3A_458 = arith.constant 112 : index
        %get3A_459 = tpu.vector_load %arg10[%get3A_457, %get3A_458] {strides = array<i32>} : memref<32x512xf32, #tpu.memory_space<vmem>>, vector<1x16xf32>,
        %get3A_460 = vector.shape_cast %get3A_459 : vector<1x16xf32> to vector<16xf32>
        %mul3A_461 = vector.broadcast %squeeze3A : f32 to vector<16xf32>
        %mul3A_462 = arith.mulf %get3A_460, %mul3A_461 : vector<16xf32>
        %add3A_463 = arith.addf %mul3A_462, %get3A_94 : vector<16xf32>
        %swap3A_464 = arith.index_cast %scan3A_372 : i32 to index
        %swap3A_465 = arith.constant 112 : index
        %swap3A_466 = tpu.vector_load %arg12[%swap3A_464, %swap3A_465] {strides = array<i32>} : memref<32x512xf32, #tpu.memory_space<vmem>>, vector<1x16xf32>,
        %swap3A_467 = vector.shape_cast %swap3A_466 : vector<1x16xf32> to vector<16xf32>
        %swap3A_468 = vector.shape_cast %add3A_463 : vector<16xf32> to vector<1x16xf32>
        tpu.vector_store %arg12[%swap3A_464, %swap3A_465], %swap3A_468 {strides = array<i32>} : memref<32x512xf32, #tpu.memory_space<vmem>>, vector<1x16xf32>,
        %get3A_469 = arith.index_cast %scan3A_372 : i32 to index
        %get3A_470 = arith.constant 128 : index
        %get3A_471 = tpu.vector_load %arg10[%get3A_469, %get3A_470] {strides = array<i32>} : memref<32x512xf32, #tpu.memory_space<vmem>>, vector<1x16xf32>,
        %get3A_472 = vector.shape_cast %get3A_471 : vector<1x16xf32> to vector<16xf32>
        %mul3A_473 = vector.broadcast %squeeze3A : f32 to vector<16xf32>
        %mul3A_474 = arith.mulf %get3A_472, %mul3A_473 : vector<16xf32>
        %add3A_475 = arith.addf %mul3A_474, %get3A_98 : vector<16xf32>
        %swap3A_476 = arith.index_cast %scan3A_372 : i32 to index
        %swap3A_477 = arith.constant 128 : index
        %swap3A_478 = tpu.vector_load %arg12[%swap3A_476, %swap3A_477] {strides = array<i32>} : memref<32x512xf32, #tpu.memory_space<vmem>>, vector<1x16xf32>,
        %swap3A_479 = vector.shape_cast %swap3A_478 : vector<1x16xf32> to vector<16xf32>
        %swap3A_480 = vector.shape_cast %add3A_475 : vector<16xf32> to vector<1x16xf32>
        tpu.vector_store %arg12[%swap3A_476, %swap3A_477], %swap3A_480 {strides = array<i32>} : memref<32x512xf32, #tpu.memory_space<vmem>>, vector<1x16xf32>,
        %get3A_481 = arith.index_cast %scan3A_372 : i32 to index
        %get3A_482 = arith.constant 144 : index
        %get3A_483 = tpu.vector_load %arg10[%get3A_481, %get3A_482] {strides = array<i32>} : memref<32x512xf32, #tpu.memory_space<vmem>>, vector<1x16xf32>,
        %get3A_484 = vector.shape_cast %get3A_483 : vector<1x16xf32> to vector<16xf32>
        %mul3A_485 = vector.broadcast %squeeze3A : f32 to vector<16xf32>
        %mul3A_486 = arith.mulf %get3A_484, %mul3A_485 : vector<16xf32>
        %add3A_487 = arith.addf %mul3A_486, %get3A_102 : vector<16xf32>
        %swap3A_488 = arith.index_cast %scan3A_372 : i32 to index
        %swap3A_489 = arith.constant 144 : index
        %swap3A_490 = tpu.vector_load %arg12[%swap3A_488, %swap3A_489] {strides = array<i32>} : memref<32x512xf32, #tpu.memory_space<vmem>>, vector<1x16xf32>,
        %swap3A_491 = vector.shape_cast %swap3A_490 : vector<1x16xf32> to vector<16xf32>
        %swap3A_492 = vector.shape_cast %add3A_487 : vector<16xf32> to vector<1x16xf32>
        tpu.vector_store %arg12[%swap3A_488, %swap3A_489], %swap3A_492 {strides = array<i32>} : memref<32x512xf32, #tpu.memory_space<vmem>>, vector<1x16xf32>,
        %get3A_493 = arith.index_cast %scan3A_372 : i32 to index
        %get3A_494 = arith.constant 160 : index
        %get3A_495 = tpu.vector_load %arg10[%get3A_493, %get3A_494] {strides = array<i32>} : memref<32x512xf32, #tpu.memory_space<vmem>>, vector<1x16xf32>,
        %get3A_496 = vector.shape_cast %get3A_495 : vector<1x16xf32> to vector<16xf32>
        %mul3A_497 = vector.broadcast %squeeze3A : f32 to vector<16xf32>
        %mul3A_498 = arith.mulf %get3A_496, %mul3A_497 : vector<16xf32>
        %add3A_499 = arith.addf %mul3A_498, %get3A_106 : vector<16xf32>
        %swap3A_500 = arith.index_cast %scan3A_372 : i32 to index
        %swap3A_501 = arith.constant 160 : index
        %swap3A_502 = tpu.vector_load %arg12[%swap3A_500, %swap3A_501] {strides = array<i32>} : memref<32x512xf32, #tpu.memory_space<vmem>>, vector<1x16xf32>,
        %swap3A_503 = vector.shape_cast %swap3A_502 : vector<1x16xf32> to vector<16xf32>
        %swap3A_504 = vector.shape_cast %add3A_499 : vector<16xf32> to vector<1x16xf32>
        tpu.vector_store %arg12[%swap3A_500, %swap3A_501], %swap3A_504 {strides = array<i32>} : memref<32x512xf32, #tpu.memory_space<vmem>>, vector<1x16xf32>,
        %get3A_505 = arith.index_cast %scan3A_372 : i32 to index
        %get3A_506 = arith.constant 176 : index
        %get3A_507 = tpu.vector_load %arg10[%get3A_505, %get3A_506] {strides = array<i32>} : memref<32x512xf32, #tpu.memory_space<vmem>>, vector<1x16xf32>,
        %get3A_508 = vector.shape_cast %get3A_507 : vector<1x16xf32> to vector<16xf32>
        %mul3A_509 = vector.broadcast %squeeze3A : f32 to vector<16xf32>
        %mul3A_510 = arith.mulf %get3A_508, %mul3A_509 : vector<16xf32>
        %add3A_511 = arith.addf %mul3A_510, %get3A_110 : vector<16xf32>
        %swap3A_512 = arith.index_cast %scan3A_372 : i32 to index
        %swap3A_513 = arith.constant 176 : index
        %swap3A_514 = tpu.vector_load %arg12[%swap3A_512, %swap3A_513] {strides = array<i32>} : memref<32x512xf32, #tpu.memory_space<vmem>>, vector<1x16xf32>,
        %swap3A_515 = vector.shape_cast %swap3A_514 : vector<1x16xf32> to vector<16xf32>
        %swap3A_516 = vector.shape_cast %add3A_511 : vector<16xf32> to vector<1x16xf32>
        tpu.vector_store %arg12[%swap3A_512, %swap3A_513], %swap3A_516 {strides = array<i32>} : memref<32x512xf32, #tpu.memory_space<vmem>>, vector<1x16xf32>,
        %get3A_517 = arith.index_cast %scan3A_372 : i32 to index
        %get3A_518 = arith.constant 192 : index
        %get3A_519 = tpu.vector_load %arg10[%get3A_517, %get3A_518] {strides = array<i32>} : memref<32x512xf32, #tpu.memory_space<vmem>>, vector<1x16xf32>,
        %get3A_520 = vector.shape_cast %get3A_519 : vector<1x16xf32> to vector<16xf32>
        %mul3A_521 = vector.broadcast %squeeze3A : f32 to vector<16xf32>
        %mul3A_522 = arith.mulf %get3A_520, %mul3A_521 : vector<16xf32>
        %add3A_523 = arith.addf %mul3A_522, %get3A_114 : vector<16xf32>
        %swap3A_524 = arith.index_cast %scan3A_372 : i32 to index
        %swap3A_525 = arith.constant 192 : index
        %swap3A_526 = tpu.vector_load %arg12[%swap3A_524, %swap3A_525] {strides = array<i32>} : memref<32x512xf32, #tpu.memory_space<vmem>>, vector<1x16xf32>,
        %swap3A_527 = vector.shape_cast %swap3A_526 : vector<1x16xf32> to vector<16xf32>
        %swap3A_528 = vector.shape_cast %add3A_523 : vector<16xf32> to vector<1x16xf32>
        tpu.vector_store %arg12[%swap3A_524, %swap3A_525], %swap3A_528 {strides = array<i32>} : memref<32x512xf32, #tpu.memory_space<vmem>>, vector<1x16xf32>,
        %get3A_529 = arith.index_cast %scan3A_372 : i32 to index
        %get3A_530 = arith.constant 208 : index
        %get3A_531 = tpu.vector_load %arg10[%get3A_529, %get3A_530] {strides = array<i32>} : memref<32x512xf32, #tpu.memory_space<vmem>>, vector<1x16xf32>,
        %get3A_532 = vector.shape_cast %get3A_531 : vector<1x16xf32> to vector<16xf32>
        %mul3A_533 = vector.broadcast %squeeze3A : f32 to vector<16xf32>
        %mul3A_534 = arith.mulf %get3A_532, %mul3A_533 : vector<16xf32>
        %add3A_535 = arith.addf %mul3A_534, %get3A_118 : vector<16xf32>
        %swap3A_536 = arith.index_cast %scan3A_372 : i32 to index
        %swap3A_537 = arith.constant 208 : index
        %swap3A_538 = tpu.vector_load %arg12[%swap3A_536, %swap3A_537] {strides = array<i32>} : memref<32x512xf32, #tpu.memory_space<vmem>>, vector<1x16xf32>,
        %swap3A_539 = vector.shape_cast %swap3A_538 : vector<1x16xf32> to vector<16xf32>
        %swap3A_540 = vector.shape_cast %add3A_535 : vector<16xf32> to vector<1x16xf32>
        tpu.vector_store %arg12[%swap3A_536, %swap3A_537], %swap3A_540 {strides = array<i32>} : memref<32x512xf32, #tpu.memory_space<vmem>>, vector<1x16xf32>,
        %get3A_541 = arith.index_cast %scan3A_372 : i32 to index
        %get3A_542 = arith.constant 224 : index
        %get3A_543 = tpu.vector_load %arg10[%get3A_541, %get3A_542] {strides = array<i32>} : memref<32x512xf32, #tpu.memory_space<vmem>>, vector<1x16xf32>,
        %get3A_544 = vector.shape_cast %get3A_543 : vector<1x16xf32> to vector<16xf32>
        %mul3A_545 = vector.broadcast %squeeze3A : f32 to vector<16xf32>
        %mul3A_546 = arith.mulf %get3A_544, %mul3A_545 : vector<16xf32>
        %add3A_547 = arith.addf %mul3A_546, %get3A_122 : vector<16xf32>
        %swap3A_548 = arith.index_cast %scan3A_372 : i32 to index
        %swap3A_549 = arith.constant 224 : index
        %swap3A_550 = tpu.vector_load %arg12[%swap3A_548, %swap3A_549] {strides = array<i32>} : memref<32x512xf32, #tpu.memory_space<vmem>>, vector<1x16xf32>,
        %swap3A_551 = vector.shape_cast %swap3A_550 : vector<1x16xf32> to vector<16xf32>
        %swap3A_552 = vector.shape_cast %add3A_547 : vector<16xf32> to vector<1x16xf32>
        tpu.vector_store %arg12[%swap3A_548, %swap3A_549], %swap3A_552 {strides = array<i32>} : memref<32x512xf32, #tpu.memory_space<vmem>>, vector<1x16xf32>,
        %get3A_553 = arith.index_cast %scan3A_372 : i32 to index
        %get3A_554 = arith.constant 240 : index
        %get3A_555 = tpu.vector_load %arg10[%get3A_553, %get3A_554] {strides = array<i32>} : memref<32x512xf32, #tpu.memory_space<vmem>>, vector<1x16xf32>,
        %get3A_556 = vector.shape_cast %get3A_555 : vector<1x16xf32> to vector<16xf32>
        %mul3A_557 = vector.broadcast %squeeze3A : f32 to vector<16xf32>
        %mul3A_558 = arith.mulf %get3A_556, %mul3A_557 : vector<16xf32>
        %add3A_559 = arith.addf %mul3A_558, %get3A_126 : vector<16xf32>
        %swap3A_560 = arith.index_cast %scan3A_372 : i32 to index
        %swap3A_561 = arith.constant 240 : index
        %swap3A_562 = tpu.vector_load %arg12[%swap3A_560, %swap3A_561] {strides = array<i32>} : memref<32x512xf32, #tpu.memory_space<vmem>>, vector<1x16xf32>,
        %swap3A_563 = vector.shape_cast %swap3A_562 : vector<1x16xf32> to vector<16xf32>
        %swap3A_564 = vector.shape_cast %add3A_559 : vector<16xf32> to vector<1x16xf32>
        tpu.vector_store %arg12[%swap3A_560, %swap3A_561], %swap3A_564 {strides = array<i32>} : memref<32x512xf32, #tpu.memory_space<vmem>>, vector<1x16xf32>,
        %get3A_565 = arith.index_cast %scan3A_372 : i32 to index
        %get3A_566 = arith.constant 256 : index
        %get3A_567 = tpu.vector_load %arg10[%get3A_565, %get3A_566] {strides = array<i32>} : memref<32x512xf32, #tpu.memory_space<vmem>>, vector<1x16xf32>,
        %get3A_568 = vector.shape_cast %get3A_567 : vector<1x16xf32> to vector<16xf32>
        %mul3A_569 = vector.broadcast %squeeze3A : f32 to vector<16xf32>
        %mul3A_570 = arith.mulf %get3A_568, %mul3A_569 : vector<16xf32>
        %add3A_571 = arith.addf %mul3A_570, %get3A_130 : vector<16xf32>
        %swap3A_572 = arith.index_cast %scan3A_372 : i32 to index
        %swap3A_573 = arith.constant 256 : index
        %swap3A_574 = tpu.vector_load %arg12[%swap3A_572, %swap3A_573] {strides = array<i32>} : memref<32x512xf32, #tpu.memory_space<vmem>>, vector<1x16xf32>,
        %swap3A_575 = vector.shape_cast %swap3A_574 : vector<1x16xf32> to vector<16xf32>
        %swap3A_576 = vector.shape_cast %add3A_571 : vector<16xf32> to vector<1x16xf32>
        tpu.vector_store %arg12[%swap3A_572, %swap3A_573], %swap3A_576 {strides = array<i32>} : memref<32x512xf32, #tpu.memory_space<vmem>>, vector<1x16xf32>,
        %get3A_577 = arith.index_cast %scan3A_372 : i32 to index
        %get3A_578 = arith.constant 272 : index
        %get3A_579 = tpu.vector_load %arg10[%get3A_577, %get3A_578] {strides = array<i32>} : memref<32x512xf32, #tpu.memory_space<vmem>>, vector<1x16xf32>,
        %get3A_580 = vector.shape_cast %get3A_579 : vector<1x16xf32> to vector<16xf32>
        %mul3A_581 = vector.broadcast %squeeze3A : f32 to vector<16xf32>
        %mul3A_582 = arith.mulf %get3A_580, %mul3A_581 : vector<16xf32>
        %add3A_583 = arith.addf %mul3A_582, %get3A_134 : vector<16xf32>
        %swap3A_584 = arith.index_cast %scan3A_372 : i32 to index
        %swap3A_585 = arith.constant 272 : index
        %swap3A_586 = tpu.vector_load %arg12[%swap3A_584, %swap3A_585] {strides = array<i32>} : memref<32x512xf32, #tpu.memory_space<vmem>>, vector<1x16xf32>,
        %swap3A_587 = vector.shape_cast %swap3A_586 : vector<1x16xf32> to vector<16xf32>
        %swap3A_588 = vector.shape_cast %add3A_583 : vector<16xf32> to vector<1x16xf32>
        tpu.vector_store %arg12[%swap3A_584, %swap3A_585], %swap3A_588 {strides = array<i32>} : memref<32x512xf32, #tpu.memory_space<vmem>>, vector<1x16xf32>,
        %get3A_589 = arith.index_cast %scan3A_372 : i32 to index
        %get3A_590 = arith.constant 288 : index
        %get3A_591 = tpu.vector_load %arg10[%get3A_589, %get3A_590] {strides = array<i32>} : memref<32x512xf32, #tpu.memory_space<vmem>>, vector<1x16xf32>,
        %get3A_592 = vector.shape_cast %get3A_591 : vector<1x16xf32> to vector<16xf32>
        %mul3A_593 = vector.broadcast %squeeze3A : f32 to vector<16xf32>
        %mul3A_594 = arith.mulf %get3A_592, %mul3A_593 : vector<16xf32>
        %add3A_595 = arith.addf %mul3A_594, %get3A_138 : vector<16xf32>
        %swap3A_596 = arith.index_cast %scan3A_372 : i32 to index
        %swap3A_597 = arith.constant 288 : index
        %swap3A_598 = tpu.vector_load %arg12[%swap3A_596, %swap3A_597] {strides = array<i32>} : memref<32x512xf32, #tpu.memory_space<vmem>>, vector<1x16xf32>,
        %swap3A_599 = vector.shape_cast %swap3A_598 : vector<1x16xf32> to vector<16xf32>
        %swap3A_600 = vector.shape_cast %add3A_595 : vector<16xf32> to vector<1x16xf32>
        tpu.vector_store %arg12[%swap3A_596, %swap3A_597], %swap3A_600 {strides = array<i32>} : memref<32x512xf32, #tpu.memory_space<vmem>>, vector<1x16xf32>,
        %get3A_601 = arith.index_cast %scan3A_372 : i32 to index
        %get3A_602 = arith.constant 304 : index
        %get3A_603 = tpu.vector_load %arg10[%get3A_601, %get3A_602] {strides = array<i32>} : memref<32x512xf32, #tpu.memory_space<vmem>>, vector<1x16xf32>,
        %get3A_604 = vector.shape_cast %get3A_603 : vector<1x16xf32> to vector<16xf32>
        %mul3A_605 = vector.broadcast %squeeze3A : f32 to vector<16xf32>
        %mul3A_606 = arith.mulf %get3A_604, %mul3A_605 : vector<16xf32>
        %add3A_607 = arith.addf %mul3A_606, %get3A_142 : vector<16xf32>
        %swap3A_608 = arith.index_cast %scan3A_372 : i32 to index
        %swap3A_609 = arith.constant 304 : index
        %swap3A_610 = tpu.vector_load %arg12[%swap3A_608, %swap3A_609] {strides = array<i32>} : memref<32x512xf32, #tpu.memory_space<vmem>>, vector<1x16xf32>,
        %swap3A_611 = vector.shape_cast %swap3A_610 : vector<1x16xf32> to vector<16xf32>
        %swap3A_612 = vector.shape_cast %add3A_607 : vector<16xf32> to vector<1x16xf32>
        tpu.vector_store %arg12[%swap3A_608, %swap3A_609], %swap3A_612 {strides = array<i32>} : memref<32x512xf32, #tpu.memory_space<vmem>>, vector<1x16xf32>,
        %get3A_613 = arith.index_cast %scan3A_372 : i32 to index
        %get3A_614 = arith.constant 320 : index
        %get3A_615 = tpu.vector_load %arg10[%get3A_613, %get3A_614] {strides = array<i32>} : memref<32x512xf32, #tpu.memory_space<vmem>>, vector<1x16xf32>,
        %get3A_616 = vector.shape_cast %get3A_615 : vector<1x16xf32> to vector<16xf32>
        %mul3A_617 = vector.broadcast %squeeze3A : f32 to vector<16xf32>
        %mul3A_618 = arith.mulf %get3A_616, %mul3A_617 : vector<16xf32>
        %add3A_619 = arith.addf %mul3A_618, %get3A_146 : vector<16xf32>
        %swap3A_620 = arith.index_cast %scan3A_372 : i32 to index
        %swap3A_621 = arith.constant 320 : index
        %swap3A_622 = tpu.vector_load %arg12[%swap3A_620, %swap3A_621] {strides = array<i32>} : memref<32x512xf32, #tpu.memory_space<vmem>>, vector<1x16xf32>,
        %swap3A_623 = vector.shape_cast %swap3A_622 : vector<1x16xf32> to vector<16xf32>
        %swap3A_624 = vector.shape_cast %add3A_619 : vector<16xf32> to vector<1x16xf32>
        tpu.vector_store %arg12[%swap3A_620, %swap3A_621], %swap3A_624 {strides = array<i32>} : memref<32x512xf32, #tpu.memory_space<vmem>>, vector<1x16xf32>,
        %get3A_625 = arith.index_cast %scan3A_372 : i32 to index
        %get3A_626 = arith.constant 336 : index
        %get3A_627 = tpu.vector_load %arg10[%get3A_625, %get3A_626] {strides = array<i32>} : memref<32x512xf32, #tpu.memory_space<vmem>>, vector<1x16xf32>,
        %get3A_628 = vector.shape_cast %get3A_627 : vector<1x16xf32> to vector<16xf32>
        %mul3A_629 = vector.broadcast %squeeze3A : f32 to vector<16xf32>
        %mul3A_630 = arith.mulf %get3A_628, %mul3A_629 : vector<16xf32>
        %add3A_631 = arith.addf %mul3A_630, %get3A_150 : vector<16xf32>
        %swap3A_632 = arith.index_cast %scan3A_372 : i32 to index
        %swap3A_633 = arith.constant 336 : index
        %swap3A_634 = tpu.vector_load %arg12[%swap3A_632, %swap3A_633] {strides = array<i32>} : memref<32x512xf32, #tpu.memory_space<vmem>>, vector<1x16xf32>,
        %swap3A_635 = vector.shape_cast %swap3A_634 : vector<1x16xf32> to vector<16xf32>
        %swap3A_636 = vector.shape_cast %add3A_631 : vector<16xf32> to vector<1x16xf32>
        tpu.vector_store %arg12[%swap3A_632, %swap3A_633], %swap3A_636 {strides = array<i32>} : memref<32x512xf32, #tpu.memory_space<vmem>>, vector<1x16xf32>,
        %get3A_637 = arith.index_cast %scan3A_372 : i32 to index
        %get3A_638 = arith.constant 352 : index
        %get3A_639 = tpu.vector_load %arg10[%get3A_637, %get3A_638] {strides = array<i32>} : memref<32x512xf32, #tpu.memory_space<vmem>>, vector<1x16xf32>,
        %get3A_640 = vector.shape_cast %get3A_639 : vector<1x16xf32> to vector<16xf32>
        %mul3A_641 = vector.broadcast %squeeze3A : f32 to vector<16xf32>
        %mul3A_642 = arith.mulf %get3A_640, %mul3A_641 : vector<16xf32>
        %add3A_643 = arith.addf %mul3A_642, %get3A_154 : vector<16xf32>
        %swap3A_644 = arith.index_cast %scan3A_372 : i32 to index
        %swap3A_645 = arith.constant 352 : index
        %swap3A_646 = tpu.vector_load %arg12[%swap3A_644, %swap3A_645] {strides = array<i32>} : memref<32x512xf32, #tpu.memory_space<vmem>>, vector<1x16xf32>,
        %swap3A_647 = vector.shape_cast %swap3A_646 : vector<1x16xf32> to vector<16xf32>
        %swap3A_648 = vector.shape_cast %add3A_643 : vector<16xf32> to vector<1x16xf32>
        tpu.vector_store %arg12[%swap3A_644, %swap3A_645], %swap3A_648 {strides = array<i32>} : memref<32x512xf32, #tpu.memory_space<vmem>>, vector<1x16xf32>,
        %get3A_649 = arith.index_cast %scan3A_372 : i32 to index
        %get3A_650 = arith.constant 368 : index
        %get3A_651 = tpu.vector_load %arg10[%get3A_649, %get3A_650] {strides = array<i32>} : memref<32x512xf32, #tpu.memory_space<vmem>>, vector<1x16xf32>,
        %get3A_652 = vector.shape_cast %get3A_651 : vector<1x16xf32> to vector<16xf32>
        %mul3A_653 = vector.broadcast %squeeze3A : f32 to vector<16xf32>
        %mul3A_654 = arith.mulf %get3A_652, %mul3A_653 : vector<16xf32>
        %add3A_655 = arith.addf %mul3A_654, %get3A_158 : vector<16xf32>
        %swap3A_656 = arith.index_cast %scan3A_372 : i32 to index
        %swap3A_657 = arith.constant 368 : index
        %swap3A_658 = tpu.vector_load %arg12[%swap3A_656, %swap3A_657] {strides = array<i32>} : memref<32x512xf32, #tpu.memory_space<vmem>>, vector<1x16xf32>,
        %swap3A_659 = vector.shape_cast %swap3A_658 : vector<1x16xf32> to vector<16xf32>
        %swap3A_660 = vector.shape_cast %add3A_655 : vector<16xf32> to vector<1x16xf32>
        tpu.vector_store %arg12[%swap3A_656, %swap3A_657], %swap3A_660 {strides = array<i32>} : memref<32x512xf32, #tpu.memory_space<vmem>>, vector<1x16xf32>,
        %get3A_661 = arith.index_cast %scan3A_372 : i32 to index
        %get3A_662 = arith.constant 384 : index
        %get3A_663 = tpu.vector_load %arg10[%get3A_661, %get3A_662] {strides = array<i32>} : memref<32x512xf32, #tpu.memory_space<vmem>>, vector<1x16xf32>,
        %get3A_664 = vector.shape_cast %get3A_663 : vector<1x16xf32> to vector<16xf32>
        %mul3A_665 = vector.broadcast %squeeze3A : f32 to vector<16xf32>
        %mul3A_666 = arith.mulf %get3A_664, %mul3A_665 : vector<16xf32>
        %add3A_667 = arith.addf %mul3A_666, %get3A_162 : vector<16xf32>
        %swap3A_668 = arith.index_cast %scan3A_372 : i32 to index
        %swap3A_669 = arith.constant 384 : index
        %swap3A_670 = tpu.vector_load %arg12[%swap3A_668, %swap3A_669] {strides = array<i32>} : memref<32x512xf32, #tpu.memory_space<vmem>>, vector<1x16xf32>,
        %swap3A_671 = vector.shape_cast %swap3A_670 : vector<1x16xf32> to vector<16xf32>
        %swap3A_672 = vector.shape_cast %add3A_667 : vector<16xf32> to vector<1x16xf32>
        tpu.vector_store %arg12[%swap3A_668, %swap3A_669], %swap3A_672 {strides = array<i32>} : memref<32x512xf32, #tpu.memory_space<vmem>>, vector<1x16xf32>,
        %get3A_673 = arith.index_cast %scan3A_372 : i32 to index
        %get3A_674 = arith.constant 400 : index
        %get3A_675 = tpu.vector_load %arg10[%get3A_673, %get3A_674] {strides = array<i32>} : memref<32x512xf32, #tpu.memory_space<vmem>>, vector<1x16xf32>,
        %get3A_676 = vector.shape_cast %get3A_675 : vector<1x16xf32> to vector<16xf32>
        %mul3A_677 = vector.broadcast %squeeze3A : f32 to vector<16xf32>
        %mul3A_678 = arith.mulf %get3A_676, %mul3A_677 : vector<16xf32>
        %add3A_679 = arith.addf %mul3A_678, %get3A_166 : vector<16xf32>
        %swap3A_680 = arith.index_cast %scan3A_372 : i32 to index
        %swap3A_681 = arith.constant 400 : index
        %swap3A_682 = tpu.vector_load %arg12[%swap3A_680, %swap3A_681] {strides = array<i32>} : memref<32x512xf32, #tpu.memory_space<vmem>>, vector<1x16xf32>,
        %swap3A_683 = vector.shape_cast %swap3A_682 : vector<1x16xf32> to vector<16xf32>
        %swap3A_684 = vector.shape_cast %add3A_679 : vector<16xf32> to vector<1x16xf32>
        tpu.vector_store %arg12[%swap3A_680, %swap3A_681], %swap3A_684 {strides = array<i32>} : memref<32x512xf32, #tpu.memory_space<vmem>>, vector<1x16xf32>,
        %get3A_685 = arith.index_cast %scan3A_372 : i32 to index
        %get3A_686 = arith.constant 416 : index
        %get3A_687 = tpu.vector_load %arg10[%get3A_685, %get3A_686] {strides = array<i32>} : memref<32x512xf32, #tpu.memory_space<vmem>>, vector<1x16xf32>,
        %get3A_688 = vector.shape_cast %get3A_687 : vector<1x16xf32> to vector<16xf32>
        %mul3A_689 = vector.broadcast %squeeze3A : f32 to vector<16xf32>
        %mul3A_690 = arith.mulf %get3A_688, %mul3A_689 : vector<16xf32>
        %add3A_691 = arith.addf %mul3A_690, %get3A_170 : vector<16xf32>
        %swap3A_692 = arith.index_cast %scan3A_372 : i32 to index
        %swap3A_693 = arith.constant 416 : index
        %swap3A_694 = tpu.vector_load %arg12[%swap3A_692, %swap3A_693] {strides = array<i32>} : memref<32x512xf32, #tpu.memory_space<vmem>>, vector<1x16xf32>,
        %swap3A_695 = vector.shape_cast %swap3A_694 : vector<1x16xf32> to vector<16xf32>
        %swap3A_696 = vector.shape_cast %add3A_691 : vector<16xf32> to vector<1x16xf32>
        tpu.vector_store %arg12[%swap3A_692, %swap3A_693], %swap3A_696 {strides = array<i32>} : memref<32x512xf32, #tpu.memory_space<vmem>>, vector<1x16xf32>,
        %get3A_697 = arith.index_cast %scan3A_372 : i32 to index
        %get3A_698 = arith.constant 432 : index
        %get3A_699 = tpu.vector_load %arg10[%get3A_697, %get3A_698] {strides = array<i32>} : memref<32x512xf32, #tpu.memory_space<vmem>>, vector<1x16xf32>,
        %get3A_700 = vector.shape_cast %get3A_699 : vector<1x16xf32> to vector<16xf32>
        %mul3A_701 = vector.broadcast %squeeze3A : f32 to vector<16xf32>
        %mul3A_702 = arith.mulf %get3A_700, %mul3A_701 : vector<16xf32>
        %add3A_703 = arith.addf %mul3A_702, %get3A_174 : vector<16xf32>
        %swap3A_704 = arith.index_cast %scan3A_372 : i32 to index
        %swap3A_705 = arith.constant 432 : index
        %swap3A_706 = tpu.vector_load %arg12[%swap3A_704, %swap3A_705] {strides = array<i32>} : memref<32x512xf32, #tpu.memory_space<vmem>>, vector<1x16xf32>,
        %swap3A_707 = vector.shape_cast %swap3A_706 : vector<1x16xf32> to vector<16xf32>
        %swap3A_708 = vector.shape_cast %add3A_703 : vector<16xf32> to vector<1x16xf32>
        tpu.vector_store %arg12[%swap3A_704, %swap3A_705], %swap3A_708 {strides = array<i32>} : memref<32x512xf32, #tpu.memory_space<vmem>>, vector<1x16xf32>,
        %get3A_709 = arith.index_cast %scan3A_372 : i32 to index
        %get3A_710 = arith.constant 448 : index
        %get3A_711 = tpu.vector_load %arg10[%get3A_709, %get3A_710] {strides = array<i32>} : memref<32x512xf32, #tpu.memory_space<vmem>>, vector<1x16xf32>,
        %get3A_712 = vector.shape_cast %get3A_711 : vector<1x16xf32> to vector<16xf32>
        %mul3A_713 = vector.broadcast %squeeze3A : f32 to vector<16xf32>
        %mul3A_714 = arith.mulf %get3A_712, %mul3A_713 : vector<16xf32>
        %add3A_715 = arith.addf %mul3A_714, %get3A_178 : vector<16xf32>
        %swap3A_716 = arith.index_cast %scan3A_372 : i32 to index
        %swap3A_717 = arith.constant 448 : index
        %swap3A_718 = tpu.vector_load %arg12[%swap3A_716, %swap3A_717] {strides = array<i32>} : memref<32x512xf32, #tpu.memory_space<vmem>>, vector<1x16xf32>,
        %swap3A_719 = vector.shape_cast %swap3A_718 : vector<1x16xf32> to vector<16xf32>
        %swap3A_720 = vector.shape_cast %add3A_715 : vector<16xf32> to vector<1x16xf32>
        tpu.vector_store %arg12[%swap3A_716, %swap3A_717], %swap3A_720 {strides = array<i32>} : memref<32x512xf32, #tpu.memory_space<vmem>>, vector<1x16xf32>,
        %get3A_721 = arith.index_cast %scan3A_372 : i32 to index
        %get3A_722 = arith.constant 464 : index
        %get3A_723 = tpu.vector_load %arg10[%get3A_721, %get3A_722] {strides = array<i32>} : memref<32x512xf32, #tpu.memory_space<vmem>>, vector<1x16xf32>,
        %get3A_724 = vector.shape_cast %get3A_723 : vector<1x16xf32> to vector<16xf32>
        %mul3A_725 = vector.broadcast %squeeze3A : f32 to vector<16xf32>
        %mul3A_726 = arith.mulf %get3A_724, %mul3A_725 : vector<16xf32>
        %add3A_727 = arith.addf %mul3A_726, %get3A_182 : vector<16xf32>
        %swap3A_728 = arith.index_cast %scan3A_372 : i32 to index
        %swap3A_729 = arith.constant 464 : index
        %swap3A_730 = tpu.vector_load %arg12[%swap3A_728, %swap3A_729] {strides = array<i32>} : memref<32x512xf32, #tpu.memory_space<vmem>>, vector<1x16xf32>,
        %swap3A_731 = vector.shape_cast %swap3A_730 : vector<1x16xf32> to vector<16xf32>
        %swap3A_732 = vector.shape_cast %add3A_727 : vector<16xf32> to vector<1x16xf32>
        tpu.vector_store %arg12[%swap3A_728, %swap3A_729], %swap3A_732 {strides = array<i32>} : memref<32x512xf32, #tpu.memory_space<vmem>>, vector<1x16xf32>,
        %get3A_733 = arith.index_cast %scan3A_372 : i32 to index
        %get3A_734 = arith.constant 480 : index
        %get3A_735 = tpu.vector_load %arg10[%get3A_733, %get3A_734] {strides = array<i32>} : memref<32x512xf32, #tpu.memory_space<vmem>>, vector<1x16xf32>,
        %get3A_736 = vector.shape_cast %get3A_735 : vector<1x16xf32> to vector<16xf32>
        %mul3A_737 = vector.broadcast %squeeze3A : f32 to vector<16xf32>
        %mul3A_738 = arith.mulf %get3A_736, %mul3A_737 : vector<16xf32>
        %add3A_739 = arith.addf %mul3A_738, %get3A_186 : vector<16xf32>
        %swap3A_740 = arith.index_cast %scan3A_372 : i32 to index
        %swap3A_741 = arith.constant 480 : index
        %swap3A_742 = tpu.vector_load %arg12[%swap3A_740, %swap3A_741] {strides = array<i32>} : memref<32x512xf32, #tpu.memory_space<vmem>>, vector<1x16xf32>,
        %swap3A_743 = vector.shape_cast %swap3A_742 : vector<1x16xf32> to vector<16xf32>
        %swap3A_744 = vector.shape_cast %add3A_739 : vector<16xf32> to vector<1x16xf32>
        tpu.vector_store %arg12[%swap3A_740, %swap3A_741], %swap3A_744 {strides = array<i32>} : memref<32x512xf32, #tpu.memory_space<vmem>>, vector<1x16xf32>,
        %get3A_745 = arith.index_cast %scan3A_372 : i32 to index
        %get3A_746 = arith.constant 496 : index
        %get3A_747 = tpu.vector_load %arg10[%get3A_745, %get3A_746] {strides = array<i32>} : memref<32x512xf32, #tpu.memory_space<vmem>>, vector<1x16xf32>,
        %get3A_748 = vector.shape_cast %get3A_747 : vector<1x16xf32> to vector<16xf32>
        %mul3A_749 = vector.broadcast %squeeze3A : f32 to vector<16xf32>
        %mul3A_750 = arith.mulf %get3A_748, %mul3A_749 : vector<16xf32>
        %add3A_751 = arith.addf %mul3A_750, %get3A_190 : vector<16xf32>
        %swap3A_752 = arith.index_cast %scan3A_372 : i32 to index
        %swap3A_753 = arith.constant 496 : index
        %swap3A_754 = tpu.vector_load %arg12[%swap3A_752, %swap3A_753] {strides = array<i32>} : memref<32x512xf32, #tpu.memory_space<vmem>>, vector<1x16xf32>,
        %swap3A_755 = vector.shape_cast %swap3A_754 : vector<1x16xf32> to vector<16xf32>
        %swap3A_756 = vector.shape_cast %add3A_751 : vector<16xf32> to vector<1x16xf32>
        tpu.vector_store %arg12[%swap3A_752, %swap3A_753], %swap3A_756 {strides = array<i32>} : memref<32x512xf32, #tpu.memory_space<vmem>>, vector<1x16xf32>,
        %scan3A_757 = arith.constant 0 : i32
        scf.yield %scan3A_757 : i32
      }
      %scan3A_197 = arith.constant 32 : i32
      %dma_start3A_198 = arith.constant 0 : i32
      %dma_start3A_199 = tpu.memref_slice %arg6[%mul3A_44, %mul3A_4, %dma_start3A_198] : memref<50x1024x512xf32, #tpu.memory_space<hbm>> -> memref<1x32x512xf32, #tpu.memory_space<hbm>>
      %dma_start3A_200 = tpu.memref_squeeze %dma_start3A_199 : memref<1x32x512xf32, #tpu.memory_space<hbm>> -> memref<32x512xf32, #tpu.memory_space<hbm>>
      %dma_start3A_201 = arith.constant 0 : i32
      %dma_start3A_202 = tpu.memref_slice %arg6[%mul3A_44, %mul3A_4, %dma_start3A_201] : memref<50x1024x512xf32, #tpu.memory_space<hbm>> -> memref<1x32x512xf32, #tpu.memory_space<hbm>>
      %dma_start3A_203 = tpu.memref_squeeze %dma_start3A_202 : memref<1x32x512xf32, #tpu.memory_space<hbm>> -> memref<32x512xf32, #tpu.memory_space<hbm>>
      tpu.enqueue_dma source(%arg12 : memref<32x512xf32, #tpu.memory_space<vmem>>) target(%dma_start3A_203 : memref<32x512xf32, #tpu.memory_space<hbm>>) target_semaphore(%arg18 : memref<!tpu.dma_semaphore, #tpu.memory_space<semaphore_mem>>)
      %mul3A_204 = arith.constant 2 : i32
      %mul3A_205 = arith.muli %mul3A_204, %scan3A_41 : i32
      %add3A_206 = arith.constant 1 : i32
      %add3A_207 = arith.addi %mul3A_205, %add3A_206 : i32
      %add3A_208 = arith.constant 1 : i32
      %add3A_209 = arith.addi %add3A_207, %add3A_208 : i32
      %lt3A_210 = arith.constant 50 : i32
      %lt3A_211 = arith.cmpi slt, %add3A_209, %lt3A_210 : i32
      %convert_element_type3A_212 = arith.extui %lt3A_211 : i1 to i32
      %cond3A_213 = arith.constant 0 : i32
      %cond3A_214 = arith.cmpi ne, %convert_element_type3A_212, %cond3A_213 : i32
      scf.if %cond3A_214 {
        %add3A_372 = arith.constant 1 : i32
        %add3A_373 = arith.addi %add3A_207, %add3A_372 : i32
        %dma_wait3A_374 = tpu.memref_slice %arg2[%add3A_373, %mul3A_4] : memref<50x1024xi32, #tpu.memory_space<hbm>> -> memref<1x32xi32, #tpu.memory_space<hbm>>
        %dma_wait3A_375 = tpu.memref_squeeze %dma_wait3A_374 : memref<1x32xi32, #tpu.memory_space<hbm>> -> memref<32xi32, #tpu.memory_space<hbm>>
        %dma_wait3A_376 = tpu.memref_slice %arg2[%add3A_373, %mul3A_4] : memref<50x1024xi32, #tpu.memory_space<hbm>> -> memref<1x32xi32, #tpu.memory_space<hbm>>
        %dma_wait3A_377 = tpu.memref_squeeze %dma_wait3A_376 : memref<1x32xi32, #tpu.memory_space<hbm>> -> memref<32xi32, #tpu.memory_space<hbm>>
        tpu.wait_dma2 semaphore(%arg14 : memref<!tpu.dma_semaphore, #tpu.memory_space<semaphore_mem>>) src(%dma_wait3A_377 : memref<32xi32, #tpu.memory_space<hbm>>) dst(%arg7 : memref<32xi32, #tpu.memory_space<vmem>>)
        %dma_start3A_378 = arith.constant 0 : i32
        %dma_start3A_379 = arith.constant 0 : i32
        %dma_start3A_380 = tpu.memref_slice %arg4[%dma_start3A_378, %dma_start3A_379] : memref<100000x512xf32, #tpu.memory_space<hbm>> -> memref<100000x512xf32, #tpu.memory_space<hbm>>
        tpu.enqueue_indirect_dma source(%dma_start3A_380 : memref<100000x512xf32, #tpu.memory_space<hbm>>) target(%arg10 : memref<32x512xf32, #tpu.memory_space<vmem>>) offsets(%arg7 : memref<32xi32, #tpu.memory_space<vmem>>) semaphore(%arg16 : memref<!tpu.dma_semaphore, #tpu.memory_space<semaphore_mem>>)
      } else {
      }
      %dma_wait3A_215 = arith.constant 0 : i32
      %dma_wait3A_216 = arith.constant 0 : i32
      %dma_wait3A_217 = tpu.memref_slice %arg4[%dma_wait3A_215, %dma_wait3A_216] : memref<100000x512xf32, #tpu.memory_space<hbm>> -> memref<100000x512xf32, #tpu.memory_space<hbm>>
      tpu.wait_indirect_dma semaphore(%arg17 : memref<!tpu.dma_semaphore, #tpu.memory_space<semaphore_mem>>) src(%dma_wait3A_217 : memref<100000x512xf32, #tpu.memory_space<hbm>>) dst(%arg11 : memref<32x512xf32, #tpu.memory_space<vmem>>)
      %add3A_218 = arith.constant 2 : i32
      %add3A_219 = arith.addi %add3A_207, %add3A_218 : i32
      %lt3A_220 = arith.constant 50 : i32
      %lt3A_221 = arith.cmpi slt, %add3A_219, %lt3A_220 : i32
      %convert_element_type3A_222 = arith.extui %lt3A_221 : i1 to i32
      %cond3A_223 = arith.constant 0 : i32
      %cond3A_224 = arith.cmpi ne, %convert_element_type3A_222, %cond3A_223 : i32
      scf.if %cond3A_224 {
        %add3A_372 = arith.constant 2 : i32
        %add3A_373 = arith.addi %add3A_207, %add3A_372 : i32
        %dma_start3A_374 = tpu.memref_slice %arg2[%add3A_373, %mul3A_4] : memref<50x1024xi32, #tpu.memory_space<hbm>> -> memref<1x32xi32, #tpu.memory_space<hbm>>
        %dma_start3A_375 = tpu.memref_squeeze %dma_start3A_374 : memref<1x32xi32, #tpu.memory_space<hbm>> -> memref<32xi32, #tpu.memory_space<hbm>>
        %dma_start3A_376 = tpu.memref_slice %arg2[%add3A_373, %mul3A_4] : memref<50x1024xi32, #tpu.memory_space<hbm>> -> memref<1x32xi32, #tpu.memory_space<hbm>>
        %dma_start3A_377 = tpu.memref_squeeze %dma_start3A_376 : memref<1x32xi32, #tpu.memory_space<hbm>> -> memref<32xi32, #tpu.memory_space<hbm>>
        tpu.enqueue_dma source(%dma_start3A_377 : memref<32xi32, #tpu.memory_space<hbm>>) target(%arg8 : memref<32xi32, #tpu.memory_space<vmem>>) target_semaphore(%arg15 : memref<!tpu.dma_semaphore, #tpu.memory_space<semaphore_mem>>)
      } else {
      }
      %ge3A_225 = arith.constant 2 : i32
      %ge3A_226 = arith.cmpi sge, %add3A_207, %ge3A_225 : i32
      %convert_element_type3A_227 = arith.extui %ge3A_226 : i1 to i32
      %cond3A_228 = arith.constant 0 : i32
      %cond3A_229 = arith.cmpi ne, %convert_element_type3A_227, %cond3A_228 : i32
      scf.if %cond3A_229 {
        %sub3A = arith.constant 2 : i32
        %sub3A_372 = arith.subi %add3A_207, %sub3A : i32
        %dma_wait3A_373 = arith.constant 0 : i32
        %dma_wait3A_374 = tpu.memref_slice %arg6[%sub3A_372, %mul3A_4, %dma_wait3A_373] : memref<50x1024x512xf32, #tpu.memory_space<hbm>> -> memref<1x32x512xf32, #tpu.memory_space<hbm>>
        %dma_wait3A_375 = tpu.memref_squeeze %dma_wait3A_374 : memref<1x32x512xf32, #tpu.memory_space<hbm>> -> memref<32x512xf32, #tpu.memory_space<hbm>>
        %dma_wait3A_376 = arith.constant 0 : i32
        %dma_wait3A_377 = tpu.memref_slice %arg6[%sub3A_372, %mul3A_4, %dma_wait3A_376] : memref<50x1024x512xf32, #tpu.memory_space<hbm>> -> memref<1x32x512xf32, #tpu.memory_space<hbm>>
        %dma_wait3A_378 = tpu.memref_squeeze %dma_wait3A_377 : memref<1x32x512xf32, #tpu.memory_space<hbm>> -> memref<32x512xf32, #tpu.memory_space<hbm>>
        tpu.wait_dma2 semaphore(%arg19 : memref<!tpu.dma_semaphore, #tpu.memory_space<semaphore_mem>>) src(%arg13 : memref<32x512xf32, #tpu.memory_space<vmem>>) dst(%dma_wait3A_378 : memref<32x512xf32, #tpu.memory_space<hbm>>)
      } else {
      }
      %get3A_230 = arith.index_cast %add3A_207 : i32 to index
      %get3A_231 = arith.constant 0 : index
      %get3A_232 = tpu.vector_load %arg9[%get3A_230, %get3A_231] {strides = array<i32>} : memref<50x512xf32, #tpu.memory_space<vmem>>, vector<1x16xf32>,
      %get3A_233 = vector.shape_cast %get3A_232 : vector<1x16xf32> to vector<16xf32>
      %get3A_234 = arith.index_cast %add3A_207 : i32 to index
      %get3A_235 = arith.constant 16 : index
      %get3A_236 = tpu.vector_load %arg9[%get3A_234, %get3A_235] {strides = array<i32>} : memref<50x512xf32, #tpu.memory_space<vmem>>, vector<1x16xf32>,
      %get3A_237 = vector.shape_cast %get3A_236 : vector<1x16xf32> to vector<16xf32>
      %get3A_238 = arith.index_cast %add3A_207 : i32 to index
      %get3A_239 = arith.constant 32 : index
      %get3A_240 = tpu.vector_load %arg9[%get3A_238, %get3A_239] {strides = array<i32>} : memref<50x512xf32, #tpu.memory_space<vmem>>, vector<1x16xf32>,
      %get3A_241 = vector.shape_cast %get3A_240 : vector<1x16xf32> to vector<16xf32>
      %get3A_242 = arith.index_cast %add3A_207 : i32 to index
      %get3A_243 = arith.constant 48 : index
      %get3A_244 = tpu.vector_load %arg9[%get3A_242, %get3A_243] {strides = array<i32>} : memref<50x512xf32, #tpu.memory_space<vmem>>, vector<1x16xf32>,
      %get3A_245 = vector.shape_cast %get3A_244 : vector<1x16xf32> to vector<16xf32>
      %get3A_246 = arith.index_cast %add3A_207 : i32 to index
      %get3A_247 = arith.constant 64 : index
      %get3A_248 = tpu.vector_load %arg9[%get3A_246, %get3A_247] {strides = array<i32>} : memref<50x512xf32, #tpu.memory_space<vmem>>, vector<1x16xf32>,
      %get3A_249 = vector.shape_cast %get3A_248 : vector<1x16xf32> to vector<16xf32>
      %get3A_250 = arith.index_cast %add3A_207 : i32 to index
      %get3A_251 = arith.constant 80 : index
      %get3A_252 = tpu.vector_load %arg9[%get3A_250, %get3A_251] {strides = array<i32>} : memref<50x512xf32, #tpu.memory_space<vmem>>, vector<1x16xf32>,
      %get3A_253 = vector.shape_cast %get3A_252 : vector<1x16xf32> to vector<16xf32>
      %get3A_254 = arith.index_cast %add3A_207 : i32 to index
      %get3A_255 = arith.constant 96 : index
      %get3A_256 = tpu.vector_load %arg9[%get3A_254, %get3A_255] {strides = array<i32>} : memref<50x512xf32, #tpu.memory_space<vmem>>, vector<1x16xf32>,
      %get3A_257 = vector.shape_cast %get3A_256 : vector<1x16xf32> to vector<16xf32>
      %get3A_258 = arith.index_cast %add3A_207 : i32 to index
      %get3A_259 = arith.constant 112 : index
      %get3A_260 = tpu.vector_load %arg9[%get3A_258, %get3A_259] {strides = array<i32>} : memref<50x512xf32, #tpu.memory_space<vmem>>, vector<1x16xf32>,
      %get3A_261 = vector.shape_cast %get3A_260 : vector<1x16xf32> to vector<16xf32>
      %get3A_262 = arith.index_cast %add3A_207 : i32 to index
      %get3A_263 = arith.constant 128 : index
      %get3A_264 = tpu.vector_load %arg9[%get3A_262, %get3A_263] {strides = array<i32>} : memref<50x512xf32, #tpu.memory_space<vmem>>, vector<1x16xf32>,
      %get3A_265 = vector.shape_cast %get3A_264 : vector<1x16xf32> to vector<16xf32>
      %get3A_266 = arith.index_cast %add3A_207 : i32 to index
      %get3A_267 = arith.constant 144 : index
      %get3A_268 = tpu.vector_load %arg9[%get3A_266, %get3A_267] {strides = array<i32>} : memref<50x512xf32, #tpu.memory_space<vmem>>, vector<1x16xf32>,
      %get3A_269 = vector.shape_cast %get3A_268 : vector<1x16xf32> to vector<16xf32>
      %get3A_270 = arith.index_cast %add3A_207 : i32 to index
      %get3A_271 = arith.constant 160 : index
      %get3A_272 = tpu.vector_load %arg9[%get3A_270, %get3A_271] {strides = array<i32>} : memref<50x512xf32, #tpu.memory_space<vmem>>, vector<1x16xf32>,
      %get3A_273 = vector.shape_cast %get3A_272 : vector<1x16xf32> to vector<16xf32>
      %get3A_274 = arith.index_cast %add3A_207 : i32 to index
      %get3A_275 = arith.constant 176 : index
      %get3A_276 = tpu.vector_load %arg9[%get3A_274, %get3A_275] {strides = array<i32>} : memref<50x512xf32, #tpu.memory_space<vmem>>, vector<1x16xf32>,
      %get3A_277 = vector.shape_cast %get3A_276 : vector<1x16xf32> to vector<16xf32>
      %get3A_278 = arith.index_cast %add3A_207 : i32 to index
      %get3A_279 = arith.constant 192 : index
      %get3A_280 = tpu.vector_load %arg9[%get3A_278, %get3A_279] {strides = array<i32>} : memref<50x512xf32, #tpu.memory_space<vmem>>, vector<1x16xf32>,
      %get3A_281 = vector.shape_cast %get3A_280 : vector<1x16xf32> to vector<16xf32>
      %get3A_282 = arith.index_cast %add3A_207 : i32 to index
      %get3A_283 = arith.constant 208 : index
      %get3A_284 = tpu.vector_load %arg9[%get3A_282, %get3A_283] {strides = array<i32>} : memref<50x512xf32, #tpu.memory_space<vmem>>, vector<1x16xf32>,
      %get3A_285 = vector.shape_cast %get3A_284 : vector<1x16xf32> to vector<16xf32>
      %get3A_286 = arith.index_cast %add3A_207 : i32 to index
      %get3A_287 = arith.constant 224 : index
      %get3A_288 = tpu.vector_load %arg9[%get3A_286, %get3A_287] {strides = array<i32>} : memref<50x512xf32, #tpu.memory_space<vmem>>, vector<1x16xf32>,
      %get3A_289 = vector.shape_cast %get3A_288 : vector<1x16xf32> to vector<16xf32>
      %get3A_290 = arith.index_cast %add3A_207 : i32 to index
      %get3A_291 = arith.constant 240 : index
      %get3A_292 = tpu.vector_load %arg9[%get3A_290, %get3A_291] {strides = array<i32>} : memref<50x512xf32, #tpu.memory_space<vmem>>, vector<1x16xf32>,
      %get3A_293 = vector.shape_cast %get3A_292 : vector<1x16xf32> to vector<16xf32>
      %get3A_294 = arith.index_cast %add3A_207 : i32 to index
      %get3A_295 = arith.constant 256 : index
      %get3A_296 = tpu.vector_load %arg9[%get3A_294, %get3A_295] {strides = array<i32>} : memref<50x512xf32, #tpu.memory_space<vmem>>, vector<1x16xf32>,
      %get3A_297 = vector.shape_cast %get3A_296 : vector<1x16xf32> to vector<16xf32>
      %get3A_298 = arith.index_cast %add3A_207 : i32 to index
      %get3A_299 = arith.constant 272 : index
      %get3A_300 = tpu.vector_load %arg9[%get3A_298, %get3A_299] {strides = array<i32>} : memref<50x512xf32, #tpu.memory_space<vmem>>, vector<1x16xf32>,
      %get3A_301 = vector.shape_cast %get3A_300 : vector<1x16xf32> to vector<16xf32>
      %get3A_302 = arith.index_cast %add3A_207 : i32 to index
      %get3A_303 = arith.constant 288 : index
      %get3A_304 = tpu.vector_load %arg9[%get3A_302, %get3A_303] {strides = array<i32>} : memref<50x512xf32, #tpu.memory_space<vmem>>, vector<1x16xf32>,
      %get3A_305 = vector.shape_cast %get3A_304 : vector<1x16xf32> to vector<16xf32>
      %get3A_306 = arith.index_cast %add3A_207 : i32 to index
      %get3A_307 = arith.constant 304 : index
      %get3A_308 = tpu.vector_load %arg9[%get3A_306, %get3A_307] {strides = array<i32>} : memref<50x512xf32, #tpu.memory_space<vmem>>, vector<1x16xf32>,
      %get3A_309 = vector.shape_cast %get3A_308 : vector<1x16xf32> to vector<16xf32>
      %get3A_310 = arith.index_cast %add3A_207 : i32 to index
      %get3A_311 = arith.constant 320 : index
      %get3A_312 = tpu.vector_load %arg9[%get3A_310, %get3A_311] {strides = array<i32>} : memref<50x512xf32, #tpu.memory_space<vmem>>, vector<1x16xf32>,
      %get3A_313 = vector.shape_cast %get3A_312 : vector<1x16xf32> to vector<16xf32>
      %get3A_314 = arith.index_cast %add3A_207 : i32 to index
      %get3A_315 = arith.constant 336 : index
      %get3A_316 = tpu.vector_load %arg9[%get3A_314, %get3A_315] {strides = array<i32>} : memref<50x512xf32, #tpu.memory_space<vmem>>, vector<1x16xf32>,
      %get3A_317 = vector.shape_cast %get3A_316 : vector<1x16xf32> to vector<16xf32>
      %get3A_318 = arith.index_cast %add3A_207 : i32 to index
      %get3A_319 = arith.constant 352 : index
      %get3A_320 = tpu.vector_load %arg9[%get3A_318, %get3A_319] {strides = array<i32>} : memref<50x512xf32, #tpu.memory_space<vmem>>, vector<1x16xf32>,
      %get3A_321 = vector.shape_cast %get3A_320 : vector<1x16xf32> to vector<16xf32>
      %get3A_322 = arith.index_cast %add3A_207 : i32 to index
      %get3A_323 = arith.constant 368 : index
      %get3A_324 = tpu.vector_load %arg9[%get3A_322, %get3A_323] {strides = array<i32>} : memref<50x512xf32, #tpu.memory_space<vmem>>, vector<1x16xf32>,
      %get3A_325 = vector.shape_cast %get3A_324 : vector<1x16xf32> to vector<16xf32>
      %get3A_326 = arith.index_cast %add3A_207 : i32 to index
      %get3A_327 = arith.constant 384 : index
      %get3A_328 = tpu.vector_load %arg9[%get3A_326, %get3A_327] {strides = array<i32>} : memref<50x512xf32, #tpu.memory_space<vmem>>, vector<1x16xf32>,
      %get3A_329 = vector.shape_cast %get3A_328 : vector<1x16xf32> to vector<16xf32>
      %get3A_330 = arith.index_cast %add3A_207 : i32 to index
      %get3A_331 = arith.constant 400 : index
      %get3A_332 = tpu.vector_load %arg9[%get3A_330, %get3A_331] {strides = array<i32>} : memref<50x512xf32, #tpu.memory_space<vmem>>, vector<1x16xf32>,
      %get3A_333 = vector.shape_cast %get3A_332 : vector<1x16xf32> to vector<16xf32>
      %get3A_334 = arith.index_cast %add3A_207 : i32 to index
      %get3A_335 = arith.constant 416 : index
      %get3A_336 = tpu.vector_load %arg9[%get3A_334, %get3A_335] {strides = array<i32>} : memref<50x512xf32, #tpu.memory_space<vmem>>, vector<1x16xf32>,
      %get3A_337 = vector.shape_cast %get3A_336 : vector<1x16xf32> to vector<16xf32>
      %get3A_338 = arith.index_cast %add3A_207 : i32 to index
      %get3A_339 = arith.constant 432 : index
      %get3A_340 = tpu.vector_load %arg9[%get3A_338, %get3A_339] {strides = array<i32>} : memref<50x512xf32, #tpu.memory_space<vmem>>, vector<1x16xf32>,
      %get3A_341 = vector.shape_cast %get3A_340 : vector<1x16xf32> to vector<16xf32>
      %get3A_342 = arith.index_cast %add3A_207 : i32 to index
      %get3A_343 = arith.constant 448 : index
      %get3A_344 = tpu.vector_load %arg9[%get3A_342, %get3A_343] {strides = array<i32>} : memref<50x512xf32, #tpu.memory_space<vmem>>, vector<1x16xf32>,
      %get3A_345 = vector.shape_cast %get3A_344 : vector<1x16xf32> to vector<16xf32>
      %get3A_346 = arith.index_cast %add3A_207 : i32 to index
      %get3A_347 = arith.constant 464 : index
      %get3A_348 = tpu.vector_load %arg9[%get3A_346, %get3A_347] {strides = array<i32>} : memref<50x512xf32, #tpu.memory_space<vmem>>, vector<1x16xf32>,
      %get3A_349 = vector.shape_cast %get3A_348 : vector<1x16xf32> to vector<16xf32>
      %get3A_350 = arith.index_cast %add3A_207 : i32 to index
      %get3A_351 = arith.constant 480 : index
      %get3A_352 = tpu.vector_load %arg9[%get3A_350, %get3A_351] {strides = array<i32>} : memref<50x512xf32, #tpu.memory_space<vmem>>, vector<1x16xf32>,
      %get3A_353 = vector.shape_cast %get3A_352 : vector<1x16xf32> to vector<16xf32>
      %get3A_354 = arith.index_cast %add3A_207 : i32 to index
      %get3A_355 = arith.constant 496 : index
      %get3A_356 = tpu.vector_load %arg9[%get3A_354, %get3A_355] {strides = array<i32>} : memref<50x512xf32, #tpu.memory_space<vmem>>, vector<1x16xf32>,
      %get3A_357 = vector.shape_cast %get3A_356 : vector<1x16xf32> to vector<16xf32>
      %scan3A_358 = arith.constant 0 : i32
      %scan3A_359 = arith.constant 0 : i32
      %scan3A_360 = arith.constant 32 : i32
      %scan3A_361 = arith.addi %scan3A_359, %scan3A_360 : i32
      %scan3A_362 = arith.constant 1 : i32
      %scan3A_363 = scf.for %scan3A_372 = %scan3A_359 to %scan3A_361 step %scan3A_362 iter_args(%scan3A_373 = %scan3A_358) -> (i32)  : i32 {
        %get3A_374 = arith.index_cast %scan3A_372 : i32 to index
        %get3A_375 = arith.constant 0 : index
        %get3A_376 = tpu.vector_load %arg11[%get3A_374, %get3A_375] {strides = array<i32>} : memref<32x512xf32, #tpu.memory_space<vmem>>, vector<1x16xf32>,
        %get3A_377 = vector.shape_cast %get3A_376 : vector<1x16xf32> to vector<16xf32>
        %mul3A_378 = vector.broadcast %squeeze3A : f32 to vector<16xf32>
        %mul3A_379 = arith.mulf %get3A_377, %mul3A_378 : vector<16xf32>
        %add3A_380 = arith.addf %mul3A_379, %get3A_233 : vector<16xf32>
        %swap3A = arith.index_cast %scan3A_372 : i32 to index
        %swap3A_381 = arith.constant 0 : index
        %swap3A_382 = tpu.vector_load %arg13[%swap3A, %swap3A_381] {strides = array<i32>} : memref<32x512xf32, #tpu.memory_space<vmem>>, vector<1x16xf32>,
        %swap3A_383 = vector.shape_cast %swap3A_382 : vector<1x16xf32> to vector<16xf32>
        %swap3A_384 = vector.shape_cast %add3A_380 : vector<16xf32> to vector<1x16xf32>
        tpu.vector_store %arg13[%swap3A, %swap3A_381], %swap3A_384 {strides = array<i32>} : memref<32x512xf32, #tpu.memory_space<vmem>>, vector<1x16xf32>,
        %get3A_385 = arith.index_cast %scan3A_372 : i32 to index
        %get3A_386 = arith.constant 16 : index
        %get3A_387 = tpu.vector_load %arg11[%get3A_385, %get3A_386] {strides = array<i32>} : memref<32x512xf32, #tpu.memory_space<vmem>>, vector<1x16xf32>,
        %get3A_388 = vector.shape_cast %get3A_387 : vector<1x16xf32> to vector<16xf32>
        %mul3A_389 = vector.broadcast %squeeze3A : f32 to vector<16xf32>
        %mul3A_390 = arith.mulf %get3A_388, %mul3A_389 : vector<16xf32>
        %add3A_391 = arith.addf %mul3A_390, %get3A_237 : vector<16xf32>
        %swap3A_392 = arith.index_cast %scan3A_372 : i32 to index
        %swap3A_393 = arith.constant 16 : index
        %swap3A_394 = tpu.vector_load %arg13[%swap3A_392, %swap3A_393] {strides = array<i32>} : memref<32x512xf32, #tpu.memory_space<vmem>>, vector<1x16xf32>,
        %swap3A_395 = vector.shape_cast %swap3A_394 : vector<1x16xf32> to vector<16xf32>
        %swap3A_396 = vector.shape_cast %add3A_391 : vector<16xf32> to vector<1x16xf32>
        tpu.vector_store %arg13[%swap3A_392, %swap3A_393], %swap3A_396 {strides = array<i32>} : memref<32x512xf32, #tpu.memory_space<vmem>>, vector<1x16xf32>,
        %get3A_397 = arith.index_cast %scan3A_372 : i32 to index
        %get3A_398 = arith.constant 32 : index
        %get3A_399 = tpu.vector_load %arg11[%get3A_397, %get3A_398] {strides = array<i32>} : memref<32x512xf32, #tpu.memory_space<vmem>>, vector<1x16xf32>,
        %get3A_400 = vector.shape_cast %get3A_399 : vector<1x16xf32> to vector<16xf32>
        %mul3A_401 = vector.broadcast %squeeze3A : f32 to vector<16xf32>
        %mul3A_402 = arith.mulf %get3A_400, %mul3A_401 : vector<16xf32>
        %add3A_403 = arith.addf %mul3A_402, %get3A_241 : vector<16xf32>
        %swap3A_404 = arith.index_cast %scan3A_372 : i32 to index
        %swap3A_405 = arith.constant 32 : index
        %swap3A_406 = tpu.vector_load %arg13[%swap3A_404, %swap3A_405] {strides = array<i32>} : memref<32x512xf32, #tpu.memory_space<vmem>>, vector<1x16xf32>,
        %swap3A_407 = vector.shape_cast %swap3A_406 : vector<1x16xf32> to vector<16xf32>
        %swap3A_408 = vector.shape_cast %add3A_403 : vector<16xf32> to vector<1x16xf32>
        tpu.vector_store %arg13[%swap3A_404, %swap3A_405], %swap3A_408 {strides = array<i32>} : memref<32x512xf32, #tpu.memory_space<vmem>>, vector<1x16xf32>,
        %get3A_409 = arith.index_cast %scan3A_372 : i32 to index
        %get3A_410 = arith.constant 48 : index
        %get3A_411 = tpu.vector_load %arg11[%get3A_409, %get3A_410] {strides = array<i32>} : memref<32x512xf32, #tpu.memory_space<vmem>>, vector<1x16xf32>,
        %get3A_412 = vector.shape_cast %get3A_411 : vector<1x16xf32> to vector<16xf32>
        %mul3A_413 = vector.broadcast %squeeze3A : f32 to vector<16xf32>
        %mul3A_414 = arith.mulf %get3A_412, %mul3A_413 : vector<16xf32>
        %add3A_415 = arith.addf %mul3A_414, %get3A_245 : vector<16xf32>
        %swap3A_416 = arith.index_cast %scan3A_372 : i32 to index
        %swap3A_417 = arith.constant 48 : index
        %swap3A_418 = tpu.vector_load %arg13[%swap3A_416, %swap3A_417] {strides = array<i32>} : memref<32x512xf32, #tpu.memory_space<vmem>>, vector<1x16xf32>,
        %swap3A_419 = vector.shape_cast %swap3A_418 : vector<1x16xf32> to vector<16xf32>
        %swap3A_420 = vector.shape_cast %add3A_415 : vector<16xf32> to vector<1x16xf32>
        tpu.vector_store %arg13[%swap3A_416, %swap3A_417], %swap3A_420 {strides = array<i32>} : memref<32x512xf32, #tpu.memory_space<vmem>>, vector<1x16xf32>,
        %get3A_421 = arith.index_cast %scan3A_372 : i32 to index
        %get3A_422 = arith.constant 64 : index
        %get3A_423 = tpu.vector_load %arg11[%get3A_421, %get3A_422] {strides = array<i32>} : memref<32x512xf32, #tpu.memory_space<vmem>>, vector<1x16xf32>,
        %get3A_424 = vector.shape_cast %get3A_423 : vector<1x16xf32> to vector<16xf32>
        %mul3A_425 = vector.broadcast %squeeze3A : f32 to vector<16xf32>
        %mul3A_426 = arith.mulf %get3A_424, %mul3A_425 : vector<16xf32>
        %add3A_427 = arith.addf %mul3A_426, %get3A_249 : vector<16xf32>
        %swap3A_428 = arith.index_cast %scan3A_372 : i32 to index
        %swap3A_429 = arith.constant 64 : index
        %swap3A_430 = tpu.vector_load %arg13[%swap3A_428, %swap3A_429] {strides = array<i32>} : memref<32x512xf32, #tpu.memory_space<vmem>>, vector<1x16xf32>,
        %swap3A_431 = vector.shape_cast %swap3A_430 : vector<1x16xf32> to vector<16xf32>
        %swap3A_432 = vector.shape_cast %add3A_427 : vector<16xf32> to vector<1x16xf32>
        tpu.vector_store %arg13[%swap3A_428, %swap3A_429], %swap3A_432 {strides = array<i32>} : memref<32x512xf32, #tpu.memory_space<vmem>>, vector<1x16xf32>,
        %get3A_433 = arith.index_cast %scan3A_372 : i32 to index
        %get3A_434 = arith.constant 80 : index
        %get3A_435 = tpu.vector_load %arg11[%get3A_433, %get3A_434] {strides = array<i32>} : memref<32x512xf32, #tpu.memory_space<vmem>>, vector<1x16xf32>,
        %get3A_436 = vector.shape_cast %get3A_435 : vector<1x16xf32> to vector<16xf32>
        %mul3A_437 = vector.broadcast %squeeze3A : f32 to vector<16xf32>
        %mul3A_438 = arith.mulf %get3A_436, %mul3A_437 : vector<16xf32>
        %add3A_439 = arith.addf %mul3A_438, %get3A_253 : vector<16xf32>
        %swap3A_440 = arith.index_cast %scan3A_372 : i32 to index
        %swap3A_441 = arith.constant 80 : index
        %swap3A_442 = tpu.vector_load %arg13[%swap3A_440, %swap3A_441] {strides = array<i32>} : memref<32x512xf32, #tpu.memory_space<vmem>>, vector<1x16xf32>,
        %swap3A_443 = vector.shape_cast %swap3A_442 : vector<1x16xf32> to vector<16xf32>
        %swap3A_444 = vector.shape_cast %add3A_439 : vector<16xf32> to vector<1x16xf32>
        tpu.vector_store %arg13[%swap3A_440, %swap3A_441], %swap3A_444 {strides = array<i32>} : memref<32x512xf32, #tpu.memory_space<vmem>>, vector<1x16xf32>,
        %get3A_445 = arith.index_cast %scan3A_372 : i32 to index
        %get3A_446 = arith.constant 96 : index
        %get3A_447 = tpu.vector_load %arg11[%get3A_445, %get3A_446] {strides = array<i32>} : memref<32x512xf32, #tpu.memory_space<vmem>>, vector<1x16xf32>,
        %get3A_448 = vector.shape_cast %get3A_447 : vector<1x16xf32> to vector<16xf32>
        %mul3A_449 = vector.broadcast %squeeze3A : f32 to vector<16xf32>
        %mul3A_450 = arith.mulf %get3A_448, %mul3A_449 : vector<16xf32>
        %add3A_451 = arith.addf %mul3A_450, %get3A_257 : vector<16xf32>
        %swap3A_452 = arith.index_cast %scan3A_372 : i32 to index
        %swap3A_453 = arith.constant 96 : index
        %swap3A_454 = tpu.vector_load %arg13[%swap3A_452, %swap3A_453] {strides = array<i32>} : memref<32x512xf32, #tpu.memory_space<vmem>>, vector<1x16xf32>,
        %swap3A_455 = vector.shape_cast %swap3A_454 : vector<1x16xf32> to vector<16xf32>
        %swap3A_456 = vector.shape_cast %add3A_451 : vector<16xf32> to vector<1x16xf32>
        tpu.vector_store %arg13[%swap3A_452, %swap3A_453], %swap3A_456 {strides = array<i32>} : memref<32x512xf32, #tpu.memory_space<vmem>>, vector<1x16xf32>,
        %get3A_457 = arith.index_cast %scan3A_372 : i32 to index
        %get3A_458 = arith.constant 112 : index
        %get3A_459 = tpu.vector_load %arg11[%get3A_457, %get3A_458] {strides = array<i32>} : memref<32x512xf32, #tpu.memory_space<vmem>>, vector<1x16xf32>,
        %get3A_460 = vector.shape_cast %get3A_459 : vector<1x16xf32> to vector<16xf32>
        %mul3A_461 = vector.broadcast %squeeze3A : f32 to vector<16xf32>
        %mul3A_462 = arith.mulf %get3A_460, %mul3A_461 : vector<16xf32>
        %add3A_463 = arith.addf %mul3A_462, %get3A_261 : vector<16xf32>
        %swap3A_464 = arith.index_cast %scan3A_372 : i32 to index
        %swap3A_465 = arith.constant 112 : index
        %swap3A_466 = tpu.vector_load %arg13[%swap3A_464, %swap3A_465] {strides = array<i32>} : memref<32x512xf32, #tpu.memory_space<vmem>>, vector<1x16xf32>,
        %swap3A_467 = vector.shape_cast %swap3A_466 : vector<1x16xf32> to vector<16xf32>
        %swap3A_468 = vector.shape_cast %add3A_463 : vector<16xf32> to vector<1x16xf32>
        tpu.vector_store %arg13[%swap3A_464, %swap3A_465], %swap3A_468 {strides = array<i32>} : memref<32x512xf32, #tpu.memory_space<vmem>>, vector<1x16xf32>,
        %get3A_469 = arith.index_cast %scan3A_372 : i32 to index
        %get3A_470 = arith.constant 128 : index
        %get3A_471 = tpu.vector_load %arg11[%get3A_469, %get3A_470] {strides = array<i32>} : memref<32x512xf32, #tpu.memory_space<vmem>>, vector<1x16xf32>,
        %get3A_472 = vector.shape_cast %get3A_471 : vector<1x16xf32> to vector<16xf32>
        %mul3A_473 = vector.broadcast %squeeze3A : f32 to vector<16xf32>
        %mul3A_474 = arith.mulf %get3A_472, %mul3A_473 : vector<16xf32>
        %add3A_475 = arith.addf %mul3A_474, %get3A_265 : vector<16xf32>
        %swap3A_476 = arith.index_cast %scan3A_372 : i32 to index
        %swap3A_477 = arith.constant 128 : index
        %swap3A_478 = tpu.vector_load %arg13[%swap3A_476, %swap3A_477] {strides = array<i32>} : memref<32x512xf32, #tpu.memory_space<vmem>>, vector<1x16xf32>,
        %swap3A_479 = vector.shape_cast %swap3A_478 : vector<1x16xf32> to vector<16xf32>
        %swap3A_480 = vector.shape_cast %add3A_475 : vector<16xf32> to vector<1x16xf32>
        tpu.vector_store %arg13[%swap3A_476, %swap3A_477], %swap3A_480 {strides = array<i32>} : memref<32x512xf32, #tpu.memory_space<vmem>>, vector<1x16xf32>,
        %get3A_481 = arith.index_cast %scan3A_372 : i32 to index
        %get3A_482 = arith.constant 144 : index
        %get3A_483 = tpu.vector_load %arg11[%get3A_481, %get3A_482] {strides = array<i32>} : memref<32x512xf32, #tpu.memory_space<vmem>>, vector<1x16xf32>,
        %get3A_484 = vector.shape_cast %get3A_483 : vector<1x16xf32> to vector<16xf32>
        %mul3A_485 = vector.broadcast %squeeze3A : f32 to vector<16xf32>
        %mul3A_486 = arith.mulf %get3A_484, %mul3A_485 : vector<16xf32>
        %add3A_487 = arith.addf %mul3A_486, %get3A_269 : vector<16xf32>
        %swap3A_488 = arith.index_cast %scan3A_372 : i32 to index
        %swap3A_489 = arith.constant 144 : index
        %swap3A_490 = tpu.vector_load %arg13[%swap3A_488, %swap3A_489] {strides = array<i32>} : memref<32x512xf32, #tpu.memory_space<vmem>>, vector<1x16xf32>,
        %swap3A_491 = vector.shape_cast %swap3A_490 : vector<1x16xf32> to vector<16xf32>
        %swap3A_492 = vector.shape_cast %add3A_487 : vector<16xf32> to vector<1x16xf32>
        tpu.vector_store %arg13[%swap3A_488, %swap3A_489], %swap3A_492 {strides = array<i32>} : memref<32x512xf32, #tpu.memory_space<vmem>>, vector<1x16xf32>,
        %get3A_493 = arith.index_cast %scan3A_372 : i32 to index
        %get3A_494 = arith.constant 160 : index
        %get3A_495 = tpu.vector_load %arg11[%get3A_493, %get3A_494] {strides = array<i32>} : memref<32x512xf32, #tpu.memory_space<vmem>>, vector<1x16xf32>,
        %get3A_496 = vector.shape_cast %get3A_495 : vector<1x16xf32> to vector<16xf32>
        %mul3A_497 = vector.broadcast %squeeze3A : f32 to vector<16xf32>
        %mul3A_498 = arith.mulf %get3A_496, %mul3A_497 : vector<16xf32>
        %add3A_499 = arith.addf %mul3A_498, %get3A_273 : vector<16xf32>
        %swap3A_500 = arith.index_cast %scan3A_372 : i32 to index
        %swap3A_501 = arith.constant 160 : index
        %swap3A_502 = tpu.vector_load %arg13[%swap3A_500, %swap3A_501] {strides = array<i32>} : memref<32x512xf32, #tpu.memory_space<vmem>>, vector<1x16xf32>,
        %swap3A_503 = vector.shape_cast %swap3A_502 : vector<1x16xf32> to vector<16xf32>
        %swap3A_504 = vector.shape_cast %add3A_499 : vector<16xf32> to vector<1x16xf32>
        tpu.vector_store %arg13[%swap3A_500, %swap3A_501], %swap3A_504 {strides = array<i32>} : memref<32x512xf32, #tpu.memory_space<vmem>>, vector<1x16xf32>,
        %get3A_505 = arith.index_cast %scan3A_372 : i32 to index
        %get3A_506 = arith.constant 176 : index
        %get3A_507 = tpu.vector_load %arg11[%get3A_505, %get3A_506] {strides = array<i32>} : memref<32x512xf32, #tpu.memory_space<vmem>>, vector<1x16xf32>,
        %get3A_508 = vector.shape_cast %get3A_507 : vector<1x16xf32> to vector<16xf32>
        %mul3A_509 = vector.broadcast %squeeze3A : f32 to vector<16xf32>
        %mul3A_510 = arith.mulf %get3A_508, %mul3A_509 : vector<16xf32>
        %add3A_511 = arith.addf %mul3A_510, %get3A_277 : vector<16xf32>
        %swap3A_512 = arith.index_cast %scan3A_372 : i32 to index
        %swap3A_513 = arith.constant 176 : index
        %swap3A_514 = tpu.vector_load %arg13[%swap3A_512, %swap3A_513] {strides = array<i32>} : memref<32x512xf32, #tpu.memory_space<vmem>>, vector<1x16xf32>,
        %swap3A_515 = vector.shape_cast %swap3A_514 : vector<1x16xf32> to vector<16xf32>
        %swap3A_516 = vector.shape_cast %add3A_511 : vector<16xf32> to vector<1x16xf32>
        tpu.vector_store %arg13[%swap3A_512, %swap3A_513], %swap3A_516 {strides = array<i32>} : memref<32x512xf32, #tpu.memory_space<vmem>>, vector<1x16xf32>,
        %get3A_517 = arith.index_cast %scan3A_372 : i32 to index
        %get3A_518 = arith.constant 192 : index
        %get3A_519 = tpu.vector_load %arg11[%get3A_517, %get3A_518] {strides = array<i32>} : memref<32x512xf32, #tpu.memory_space<vmem>>, vector<1x16xf32>,
        %get3A_520 = vector.shape_cast %get3A_519 : vector<1x16xf32> to vector<16xf32>
        %mul3A_521 = vector.broadcast %squeeze3A : f32 to vector<16xf32>
        %mul3A_522 = arith.mulf %get3A_520, %mul3A_521 : vector<16xf32>
        %add3A_523 = arith.addf %mul3A_522, %get3A_281 : vector<16xf32>
        %swap3A_524 = arith.index_cast %scan3A_372 : i32 to index
        %swap3A_525 = arith.constant 192 : index
        %swap3A_526 = tpu.vector_load %arg13[%swap3A_524, %swap3A_525] {strides = array<i32>} : memref<32x512xf32, #tpu.memory_space<vmem>>, vector<1x16xf32>,
        %swap3A_527 = vector.shape_cast %swap3A_526 : vector<1x16xf32> to vector<16xf32>
        %swap3A_528 = vector.shape_cast %add3A_523 : vector<16xf32> to vector<1x16xf32>
        tpu.vector_store %arg13[%swap3A_524, %swap3A_525], %swap3A_528 {strides = array<i32>} : memref<32x512xf32, #tpu.memory_space<vmem>>, vector<1x16xf32>,
        %get3A_529 = arith.index_cast %scan3A_372 : i32 to index
        %get3A_530 = arith.constant 208 : index
        %get3A_531 = tpu.vector_load %arg11[%get3A_529, %get3A_530] {strides = array<i32>} : memref<32x512xf32, #tpu.memory_space<vmem>>, vector<1x16xf32>,
        %get3A_532 = vector.shape_cast %get3A_531 : vector<1x16xf32> to vector<16xf32>
        %mul3A_533 = vector.broadcast %squeeze3A : f32 to vector<16xf32>
        %mul3A_534 = arith.mulf %get3A_532, %mul3A_533 : vector<16xf32>
        %add3A_535 = arith.addf %mul3A_534, %get3A_285 : vector<16xf32>
        %swap3A_536 = arith.index_cast %scan3A_372 : i32 to index
        %swap3A_537 = arith.constant 208 : index
        %swap3A_538 = tpu.vector_load %arg13[%swap3A_536, %swap3A_537] {strides = array<i32>} : memref<32x512xf32, #tpu.memory_space<vmem>>, vector<1x16xf32>,
        %swap3A_539 = vector.shape_cast %swap3A_538 : vector<1x16xf32> to vector<16xf32>
        %swap3A_540 = vector.shape_cast %add3A_535 : vector<16xf32> to vector<1x16xf32>
        tpu.vector_store %arg13[%swap3A_536, %swap3A_537], %swap3A_540 {strides = array<i32>} : memref<32x512xf32, #tpu.memory_space<vmem>>, vector<1x16xf32>,
        %get3A_541 = arith.index_cast %scan3A_372 : i32 to index
        %get3A_542 = arith.constant 224 : index
        %get3A_543 = tpu.vector_load %arg11[%get3A_541, %get3A_542] {strides = array<i32>} : memref<32x512xf32, #tpu.memory_space<vmem>>, vector<1x16xf32>,
        %get3A_544 = vector.shape_cast %get3A_543 : vector<1x16xf32> to vector<16xf32>
        %mul3A_545 = vector.broadcast %squeeze3A : f32 to vector<16xf32>
        %mul3A_546 = arith.mulf %get3A_544, %mul3A_545 : vector<16xf32>
        %add3A_547 = arith.addf %mul3A_546, %get3A_289 : vector<16xf32>
        %swap3A_548 = arith.index_cast %scan3A_372 : i32 to index
        %swap3A_549 = arith.constant 224 : index
        %swap3A_550 = tpu.vector_load %arg13[%swap3A_548, %swap3A_549] {strides = array<i32>} : memref<32x512xf32, #tpu.memory_space<vmem>>, vector<1x16xf32>,
        %swap3A_551 = vector.shape_cast %swap3A_550 : vector<1x16xf32> to vector<16xf32>
        %swap3A_552 = vector.shape_cast %add3A_547 : vector<16xf32> to vector<1x16xf32>
        tpu.vector_store %arg13[%swap3A_548, %swap3A_549], %swap3A_552 {strides = array<i32>} : memref<32x512xf32, #tpu.memory_space<vmem>>, vector<1x16xf32>,
        %get3A_553 = arith.index_cast %scan3A_372 : i32 to index
        %get3A_554 = arith.constant 240 : index
        %get3A_555 = tpu.vector_load %arg11[%get3A_553, %get3A_554] {strides = array<i32>} : memref<32x512xf32, #tpu.memory_space<vmem>>, vector<1x16xf32>,
        %get3A_556 = vector.shape_cast %get3A_555 : vector<1x16xf32> to vector<16xf32>
        %mul3A_557 = vector.broadcast %squeeze3A : f32 to vector<16xf32>
        %mul3A_558 = arith.mulf %get3A_556, %mul3A_557 : vector<16xf32>
        %add3A_559 = arith.addf %mul3A_558, %get3A_293 : vector<16xf32>
        %swap3A_560 = arith.index_cast %scan3A_372 : i32 to index
        %swap3A_561 = arith.constant 240 : index
        %swap3A_562 = tpu.vector_load %arg13[%swap3A_560, %swap3A_561] {strides = array<i32>} : memref<32x512xf32, #tpu.memory_space<vmem>>, vector<1x16xf32>,
        %swap3A_563 = vector.shape_cast %swap3A_562 : vector<1x16xf32> to vector<16xf32>
        %swap3A_564 = vector.shape_cast %add3A_559 : vector<16xf32> to vector<1x16xf32>
        tpu.vector_store %arg13[%swap3A_560, %swap3A_561], %swap3A_564 {strides = array<i32>} : memref<32x512xf32, #tpu.memory_space<vmem>>, vector<1x16xf32>,
        %get3A_565 = arith.index_cast %scan3A_372 : i32 to index
        %get3A_566 = arith.constant 256 : index
        %get3A_567 = tpu.vector_load %arg11[%get3A_565, %get3A_566] {strides = array<i32>} : memref<32x512xf32, #tpu.memory_space<vmem>>, vector<1x16xf32>,
        %get3A_568 = vector.shape_cast %get3A_567 : vector<1x16xf32> to vector<16xf32>
        %mul3A_569 = vector.broadcast %squeeze3A : f32 to vector<16xf32>
        %mul3A_570 = arith.mulf %get3A_568, %mul3A_569 : vector<16xf32>
        %add3A_571 = arith.addf %mul3A_570, %get3A_297 : vector<16xf32>
        %swap3A_572 = arith.index_cast %scan3A_372 : i32 to index
        %swap3A_573 = arith.constant 256 : index
        %swap3A_574 = tpu.vector_load %arg13[%swap3A_572, %swap3A_573] {strides = array<i32>} : memref<32x512xf32, #tpu.memory_space<vmem>>, vector<1x16xf32>,
        %swap3A_575 = vector.shape_cast %swap3A_574 : vector<1x16xf32> to vector<16xf32>
        %swap3A_576 = vector.shape_cast %add3A_571 : vector<16xf32> to vector<1x16xf32>
        tpu.vector_store %arg13[%swap3A_572, %swap3A_573], %swap3A_576 {strides = array<i32>} : memref<32x512xf32, #tpu.memory_space<vmem>>, vector<1x16xf32>,
        %get3A_577 = arith.index_cast %scan3A_372 : i32 to index
        %get3A_578 = arith.constant 272 : index
        %get3A_579 = tpu.vector_load %arg11[%get3A_577, %get3A_578] {strides = array<i32>} : memref<32x512xf32, #tpu.memory_space<vmem>>, vector<1x16xf32>,
        %get3A_580 = vector.shape_cast %get3A_579 : vector<1x16xf32> to vector<16xf32>
        %mul3A_581 = vector.broadcast %squeeze3A : f32 to vector<16xf32>
        %mul3A_582 = arith.mulf %get3A_580, %mul3A_581 : vector<16xf32>
        %add3A_583 = arith.addf %mul3A_582, %get3A_301 : vector<16xf32>
        %swap3A_584 = arith.index_cast %scan3A_372 : i32 to index
        %swap3A_585 = arith.constant 272 : index
        %swap3A_586 = tpu.vector_load %arg13[%swap3A_584, %swap3A_585] {strides = array<i32>} : memref<32x512xf32, #tpu.memory_space<vmem>>, vector<1x16xf32>,
        %swap3A_587 = vector.shape_cast %swap3A_586 : vector<1x16xf32> to vector<16xf32>
        %swap3A_588 = vector.shape_cast %add3A_583 : vector<16xf32> to vector<1x16xf32>
        tpu.vector_store %arg13[%swap3A_584, %swap3A_585], %swap3A_588 {strides = array<i32>} : memref<32x512xf32, #tpu.memory_space<vmem>>, vector<1x16xf32>,
        %get3A_589 = arith.index_cast %scan3A_372 : i32 to index
        %get3A_590 = arith.constant 288 : index
        %get3A_591 = tpu.vector_load %arg11[%get3A_589, %get3A_590] {strides = array<i32>} : memref<32x512xf32, #tpu.memory_space<vmem>>, vector<1x16xf32>,
        %get3A_592 = vector.shape_cast %get3A_591 : vector<1x16xf32> to vector<16xf32>
        %mul3A_593 = vector.broadcast %squeeze3A : f32 to vector<16xf32>
        %mul3A_594 = arith.mulf %get3A_592, %mul3A_593 : vector<16xf32>
        %add3A_595 = arith.addf %mul3A_594, %get3A_305 : vector<16xf32>
        %swap3A_596 = arith.index_cast %scan3A_372 : i32 to index
        %swap3A_597 = arith.constant 288 : index
        %swap3A_598 = tpu.vector_load %arg13[%swap3A_596, %swap3A_597] {strides = array<i32>} : memref<32x512xf32, #tpu.memory_space<vmem>>, vector<1x16xf32>,
        %swap3A_599 = vector.shape_cast %swap3A_598 : vector<1x16xf32> to vector<16xf32>
        %swap3A_600 = vector.shape_cast %add3A_595 : vector<16xf32> to vector<1x16xf32>
        tpu.vector_store %arg13[%swap3A_596, %swap3A_597], %swap3A_600 {strides = array<i32>} : memref<32x512xf32, #tpu.memory_space<vmem>>, vector<1x16xf32>,
        %get3A_601 = arith.index_cast %scan3A_372 : i32 to index
        %get3A_602 = arith.constant 304 : index
        %get3A_603 = tpu.vector_load %arg11[%get3A_601, %get3A_602] {strides = array<i32>} : memref<32x512xf32, #tpu.memory_space<vmem>>, vector<1x16xf32>,
        %get3A_604 = vector.shape_cast %get3A_603 : vector<1x16xf32> to vector<16xf32>
        %mul3A_605 = vector.broadcast %squeeze3A : f32 to vector<16xf32>
        %mul3A_606 = arith.mulf %get3A_604, %mul3A_605 : vector<16xf32>
        %add3A_607 = arith.addf %mul3A_606, %get3A_309 : vector<16xf32>
        %swap3A_608 = arith.index_cast %scan3A_372 : i32 to index
        %swap3A_609 = arith.constant 304 : index
        %swap3A_610 = tpu.vector_load %arg13[%swap3A_608, %swap3A_609] {strides = array<i32>} : memref<32x512xf32, #tpu.memory_space<vmem>>, vector<1x16xf32>,
        %swap3A_611 = vector.shape_cast %swap3A_610 : vector<1x16xf32> to vector<16xf32>
        %swap3A_612 = vector.shape_cast %add3A_607 : vector<16xf32> to vector<1x16xf32>
        tpu.vector_store %arg13[%swap3A_608, %swap3A_609], %swap3A_612 {strides = array<i32>} : memref<32x512xf32, #tpu.memory_space<vmem>>, vector<1x16xf32>,
        %get3A_613 = arith.index_cast %scan3A_372 : i32 to index
        %get3A_614 = arith.constant 320 : index
        %get3A_615 = tpu.vector_load %arg11[%get3A_613, %get3A_614] {strides = array<i32>} : memref<32x512xf32, #tpu.memory_space<vmem>>, vector<1x16xf32>,
        %get3A_616 = vector.shape_cast %get3A_615 : vector<1x16xf32> to vector<16xf32>
        %mul3A_617 = vector.broadcast %squeeze3A : f32 to vector<16xf32>
        %mul3A_618 = arith.mulf %get3A_616, %mul3A_617 : vector<16xf32>
        %add3A_619 = arith.addf %mul3A_618, %get3A_313 : vector<16xf32>
        %swap3A_620 = arith.index_cast %scan3A_372 : i32 to index
        %swap3A_621 = arith.constant 320 : index
        %swap3A_622 = tpu.vector_load %arg13[%swap3A_620, %swap3A_621] {strides = array<i32>} : memref<32x512xf32, #tpu.memory_space<vmem>>, vector<1x16xf32>,
        %swap3A_623 = vector.shape_cast %swap3A_622 : vector<1x16xf32> to vector<16xf32>
        %swap3A_624 = vector.shape_cast %add3A_619 : vector<16xf32> to vector<1x16xf32>
        tpu.vector_store %arg13[%swap3A_620, %swap3A_621], %swap3A_624 {strides = array<i32>} : memref<32x512xf32, #tpu.memory_space<vmem>>, vector<1x16xf32>,
        %get3A_625 = arith.index_cast %scan3A_372 : i32 to index
        %get3A_626 = arith.constant 336 : index
        %get3A_627 = tpu.vector_load %arg11[%get3A_625, %get3A_626] {strides = array<i32>} : memref<32x512xf32, #tpu.memory_space<vmem>>, vector<1x16xf32>,
        %get3A_628 = vector.shape_cast %get3A_627 : vector<1x16xf32> to vector<16xf32>
        %mul3A_629 = vector.broadcast %squeeze3A : f32 to vector<16xf32>
        %mul3A_630 = arith.mulf %get3A_628, %mul3A_629 : vector<16xf32>
        %add3A_631 = arith.addf %mul3A_630, %get3A_317 : vector<16xf32>
        %swap3A_632 = arith.index_cast %scan3A_372 : i32 to index
        %swap3A_633 = arith.constant 336 : index
        %swap3A_634 = tpu.vector_load %arg13[%swap3A_632, %swap3A_633] {strides = array<i32>} : memref<32x512xf32, #tpu.memory_space<vmem>>, vector<1x16xf32>,
        %swap3A_635 = vector.shape_cast %swap3A_634 : vector<1x16xf32> to vector<16xf32>
        %swap3A_636 = vector.shape_cast %add3A_631 : vector<16xf32> to vector<1x16xf32>
        tpu.vector_store %arg13[%swap3A_632, %swap3A_633], %swap3A_636 {strides = array<i32>} : memref<32x512xf32, #tpu.memory_space<vmem>>, vector<1x16xf32>,
        %get3A_637 = arith.index_cast %scan3A_372 : i32 to index
        %get3A_638 = arith.constant 352 : index
        %get3A_639 = tpu.vector_load %arg11[%get3A_637, %get3A_638] {strides = array<i32>} : memref<32x512xf32, #tpu.memory_space<vmem>>, vector<1x16xf32>,
        %get3A_640 = vector.shape_cast %get3A_639 : vector<1x16xf32> to vector<16xf32>
        %mul3A_641 = vector.broadcast %squeeze3A : f32 to vector<16xf32>
        %mul3A_642 = arith.mulf %get3A_640, %mul3A_641 : vector<16xf32>
        %add3A_643 = arith.addf %mul3A_642, %get3A_321 : vector<16xf32>
        %swap3A_644 = arith.index_cast %scan3A_372 : i32 to index
        %swap3A_645 = arith.constant 352 : index
        %swap3A_646 = tpu.vector_load %arg13[%swap3A_644, %swap3A_645] {strides = array<i32>} : memref<32x512xf32, #tpu.memory_space<vmem>>, vector<1x16xf32>,
        %swap3A_647 = vector.shape_cast %swap3A_646 : vector<1x16xf32> to vector<16xf32>
        %swap3A_648 = vector.shape_cast %add3A_643 : vector<16xf32> to vector<1x16xf32>
        tpu.vector_store %arg13[%swap3A_644, %swap3A_645], %swap3A_648 {strides = array<i32>} : memref<32x512xf32, #tpu.memory_space<vmem>>, vector<1x16xf32>,
        %get3A_649 = arith.index_cast %scan3A_372 : i32 to index
        %get3A_650 = arith.constant 368 : index
        %get3A_651 = tpu.vector_load %arg11[%get3A_649, %get3A_650] {strides = array<i32>} : memref<32x512xf32, #tpu.memory_space<vmem>>, vector<1x16xf32>,
        %get3A_652 = vector.shape_cast %get3A_651 : vector<1x16xf32> to vector<16xf32>
        %mul3A_653 = vector.broadcast %squeeze3A : f32 to vector<16xf32>
        %mul3A_654 = arith.mulf %get3A_652, %mul3A_653 : vector<16xf32>
        %add3A_655 = arith.addf %mul3A_654, %get3A_325 : vector<16xf32>
        %swap3A_656 = arith.index_cast %scan3A_372 : i32 to index
        %swap3A_657 = arith.constant 368 : index
        %swap3A_658 = tpu.vector_load %arg13[%swap3A_656, %swap3A_657] {strides = array<i32>} : memref<32x512xf32, #tpu.memory_space<vmem>>, vector<1x16xf32>,
        %swap3A_659 = vector.shape_cast %swap3A_658 : vector<1x16xf32> to vector<16xf32>
        %swap3A_660 = vector.shape_cast %add3A_655 : vector<16xf32> to vector<1x16xf32>
        tpu.vector_store %arg13[%swap3A_656, %swap3A_657], %swap3A_660 {strides = array<i32>} : memref<32x512xf32, #tpu.memory_space<vmem>>, vector<1x16xf32>,
        %get3A_661 = arith.index_cast %scan3A_372 : i32 to index
        %get3A_662 = arith.constant 384 : index
        %get3A_663 = tpu.vector_load %arg11[%get3A_661, %get3A_662] {strides = array<i32>} : memref<32x512xf32, #tpu.memory_space<vmem>>, vector<1x16xf32>,
        %get3A_664 = vector.shape_cast %get3A_663 : vector<1x16xf32> to vector<16xf32>
        %mul3A_665 = vector.broadcast %squeeze3A : f32 to vector<16xf32>
        %mul3A_666 = arith.mulf %get3A_664, %mul3A_665 : vector<16xf32>
        %add3A_667 = arith.addf %mul3A_666, %get3A_329 : vector<16xf32>
        %swap3A_668 = arith.index_cast %scan3A_372 : i32 to index
        %swap3A_669 = arith.constant 384 : index
        %swap3A_670 = tpu.vector_load %arg13[%swap3A_668, %swap3A_669] {strides = array<i32>} : memref<32x512xf32, #tpu.memory_space<vmem>>, vector<1x16xf32>,
        %swap3A_671 = vector.shape_cast %swap3A_670 : vector<1x16xf32> to vector<16xf32>
        %swap3A_672 = vector.shape_cast %add3A_667 : vector<16xf32> to vector<1x16xf32>
        tpu.vector_store %arg13[%swap3A_668, %swap3A_669], %swap3A_672 {strides = array<i32>} : memref<32x512xf32, #tpu.memory_space<vmem>>, vector<1x16xf32>,
        %get3A_673 = arith.index_cast %scan3A_372 : i32 to index
        %get3A_674 = arith.constant 400 : index
        %get3A_675 = tpu.vector_load %arg11[%get3A_673, %get3A_674] {strides = array<i32>} : memref<32x512xf32, #tpu.memory_space<vmem>>, vector<1x16xf32>,
        %get3A_676 = vector.shape_cast %get3A_675 : vector<1x16xf32> to vector<16xf32>
        %mul3A_677 = vector.broadcast %squeeze3A : f32 to vector<16xf32>
        %mul3A_678 = arith.mulf %get3A_676, %mul3A_677 : vector<16xf32>
        %add3A_679 = arith.addf %mul3A_678, %get3A_333 : vector<16xf32>
        %swap3A_680 = arith.index_cast %scan3A_372 : i32 to index
        %swap3A_681 = arith.constant 400 : index
        %swap3A_682 = tpu.vector_load %arg13[%swap3A_680, %swap3A_681] {strides = array<i32>} : memref<32x512xf32, #tpu.memory_space<vmem>>, vector<1x16xf32>,
        %swap3A_683 = vector.shape_cast %swap3A_682 : vector<1x16xf32> to vector<16xf32>
        %swap3A_684 = vector.shape_cast %add3A_679 : vector<16xf32> to vector<1x16xf32>
        tpu.vector_store %arg13[%swap3A_680, %swap3A_681], %swap3A_684 {strides = array<i32>} : memref<32x512xf32, #tpu.memory_space<vmem>>, vector<1x16xf32>,
        %get3A_685 = arith.index_cast %scan3A_372 : i32 to index
        %get3A_686 = arith.constant 416 : index
        %get3A_687 = tpu.vector_load %arg11[%get3A_685, %get3A_686] {strides = array<i32>} : memref<32x512xf32, #tpu.memory_space<vmem>>, vector<1x16xf32>,
        %get3A_688 = vector.shape_cast %get3A_687 : vector<1x16xf32> to vector<16xf32>
        %mul3A_689 = vector.broadcast %squeeze3A : f32 to vector<16xf32>
        %mul3A_690 = arith.mulf %get3A_688, %mul3A_689 : vector<16xf32>
        %add3A_691 = arith.addf %mul3A_690, %get3A_337 : vector<16xf32>
        %swap3A_692 = arith.index_cast %scan3A_372 : i32 to index
        %swap3A_693 = arith.constant 416 : index
        %swap3A_694 = tpu.vector_load %arg13[%swap3A_692, %swap3A_693] {strides = array<i32>} : memref<32x512xf32, #tpu.memory_space<vmem>>, vector<1x16xf32>,
        %swap3A_695 = vector.shape_cast %swap3A_694 : vector<1x16xf32> to vector<16xf32>
        %swap3A_696 = vector.shape_cast %add3A_691 : vector<16xf32> to vector<1x16xf32>
        tpu.vector_store %arg13[%swap3A_692, %swap3A_693], %swap3A_696 {strides = array<i32>} : memref<32x512xf32, #tpu.memory_space<vmem>>, vector<1x16xf32>,
        %get3A_697 = arith.index_cast %scan3A_372 : i32 to index
        %get3A_698 = arith.constant 432 : index
        %get3A_699 = tpu.vector_load %arg11[%get3A_697, %get3A_698] {strides = array<i32>} : memref<32x512xf32, #tpu.memory_space<vmem>>, vector<1x16xf32>,
        %get3A_700 = vector.shape_cast %get3A_699 : vector<1x16xf32> to vector<16xf32>
        %mul3A_701 = vector.broadcast %squeeze3A : f32 to vector<16xf32>
        %mul3A_702 = arith.mulf %get3A_700, %mul3A_701 : vector<16xf32>
        %add3A_703 = arith.addf %mul3A_702, %get3A_341 : vector<16xf32>
        %swap3A_704 = arith.index_cast %scan3A_372 : i32 to index
        %swap3A_705 = arith.constant 432 : index
        %swap3A_706 = tpu.vector_load %arg13[%swap3A_704, %swap3A_705] {strides = array<i32>} : memref<32x512xf32, #tpu.memory_space<vmem>>, vector<1x16xf32>,
        %swap3A_707 = vector.shape_cast %swap3A_706 : vector<1x16xf32> to vector<16xf32>
        %swap3A_708 = vector.shape_cast %add3A_703 : vector<16xf32> to vector<1x16xf32>
        tpu.vector_store %arg13[%swap3A_704, %swap3A_705], %swap3A_708 {strides = array<i32>} : memref<32x512xf32, #tpu.memory_space<vmem>>, vector<1x16xf32>,
        %get3A_709 = arith.index_cast %scan3A_372 : i32 to index
        %get3A_710 = arith.constant 448 : index
        %get3A_711 = tpu.vector_load %arg11[%get3A_709, %get3A_710] {strides = array<i32>} : memref<32x512xf32, #tpu.memory_space<vmem>>, vector<1x16xf32>,
        %get3A_712 = vector.shape_cast %get3A_711 : vector<1x16xf32> to vector<16xf32>
        %mul3A_713 = vector.broadcast %squeeze3A : f32 to vector<16xf32>
        %mul3A_714 = arith.mulf %get3A_712, %mul3A_713 : vector<16xf32>
        %add3A_715 = arith.addf %mul3A_714, %get3A_345 : vector<16xf32>
        %swap3A_716 = arith.index_cast %scan3A_372 : i32 to index
        %swap3A_717 = arith.constant 448 : index
        %swap3A_718 = tpu.vector_load %arg13[%swap3A_716, %swap3A_717] {strides = array<i32>} : memref<32x512xf32, #tpu.memory_space<vmem>>, vector<1x16xf32>,
        %swap3A_719 = vector.shape_cast %swap3A_718 : vector<1x16xf32> to vector<16xf32>
        %swap3A_720 = vector.shape_cast %add3A_715 : vector<16xf32> to vector<1x16xf32>
        tpu.vector_store %arg13[%swap3A_716, %swap3A_717], %swap3A_720 {strides = array<i32>} : memref<32x512xf32, #tpu.memory_space<vmem>>, vector<1x16xf32>,
        %get3A_721 = arith.index_cast %scan3A_372 : i32 to index
        %get3A_722 = arith.constant 464 : index
        %get3A_723 = tpu.vector_load %arg11[%get3A_721, %get3A_722] {strides = array<i32>} : memref<32x512xf32, #tpu.memory_space<vmem>>, vector<1x16xf32>,
        %get3A_724 = vector.shape_cast %get3A_723 : vector<1x16xf32> to vector<16xf32>
        %mul3A_725 = vector.broadcast %squeeze3A : f32 to vector<16xf32>
        %mul3A_726 = arith.mulf %get3A_724, %mul3A_725 : vector<16xf32>
        %add3A_727 = arith.addf %mul3A_726, %get3A_349 : vector<16xf32>
        %swap3A_728 = arith.index_cast %scan3A_372 : i32 to index
        %swap3A_729 = arith.constant 464 : index
        %swap3A_730 = tpu.vector_load %arg13[%swap3A_728, %swap3A_729] {strides = array<i32>} : memref<32x512xf32, #tpu.memory_space<vmem>>, vector<1x16xf32>,
        %swap3A_731 = vector.shape_cast %swap3A_730 : vector<1x16xf32> to vector<16xf32>
        %swap3A_732 = vector.shape_cast %add3A_727 : vector<16xf32> to vector<1x16xf32>
        tpu.vector_store %arg13[%swap3A_728, %swap3A_729], %swap3A_732 {strides = array<i32>} : memref<32x512xf32, #tpu.memory_space<vmem>>, vector<1x16xf32>,
        %get3A_733 = arith.index_cast %scan3A_372 : i32 to index
        %get3A_734 = arith.constant 480 : index
        %get3A_735 = tpu.vector_load %arg11[%get3A_733, %get3A_734] {strides = array<i32>} : memref<32x512xf32, #tpu.memory_space<vmem>>, vector<1x16xf32>,
        %get3A_736 = vector.shape_cast %get3A_735 : vector<1x16xf32> to vector<16xf32>
        %mul3A_737 = vector.broadcast %squeeze3A : f32 to vector<16xf32>
        %mul3A_738 = arith.mulf %get3A_736, %mul3A_737 : vector<16xf32>
        %add3A_739 = arith.addf %mul3A_738, %get3A_353 : vector<16xf32>
        %swap3A_740 = arith.index_cast %scan3A_372 : i32 to index
        %swap3A_741 = arith.constant 480 : index
        %swap3A_742 = tpu.vector_load %arg13[%swap3A_740, %swap3A_741] {strides = array<i32>} : memref<32x512xf32, #tpu.memory_space<vmem>>, vector<1x16xf32>,
        %swap3A_743 = vector.shape_cast %swap3A_742 : vector<1x16xf32> to vector<16xf32>
        %swap3A_744 = vector.shape_cast %add3A_739 : vector<16xf32> to vector<1x16xf32>
        tpu.vector_store %arg13[%swap3A_740, %swap3A_741], %swap3A_744 {strides = array<i32>} : memref<32x512xf32, #tpu.memory_space<vmem>>, vector<1x16xf32>,
        %get3A_745 = arith.index_cast %scan3A_372 : i32 to index
        %get3A_746 = arith.constant 496 : index
        %get3A_747 = tpu.vector_load %arg11[%get3A_745, %get3A_746] {strides = array<i32>} : memref<32x512xf32, #tpu.memory_space<vmem>>, vector<1x16xf32>,
        %get3A_748 = vector.shape_cast %get3A_747 : vector<1x16xf32> to vector<16xf32>
        %mul3A_749 = vector.broadcast %squeeze3A : f32 to vector<16xf32>
        %mul3A_750 = arith.mulf %get3A_748, %mul3A_749 : vector<16xf32>
        %add3A_751 = arith.addf %mul3A_750, %get3A_357 : vector<16xf32>
        %swap3A_752 = arith.index_cast %scan3A_372 : i32 to index
        %swap3A_753 = arith.constant 496 : index
        %swap3A_754 = tpu.vector_load %arg13[%swap3A_752, %swap3A_753] {strides = array<i32>} : memref<32x512xf32, #tpu.memory_space<vmem>>, vector<1x16xf32>,
        %swap3A_755 = vector.shape_cast %swap3A_754 : vector<1x16xf32> to vector<16xf32>
        %swap3A_756 = vector.shape_cast %add3A_751 : vector<16xf32> to vector<1x16xf32>
        tpu.vector_store %arg13[%swap3A_752, %swap3A_753], %swap3A_756 {strides = array<i32>} : memref<32x512xf32, #tpu.memory_space<vmem>>, vector<1x16xf32>,
        %scan3A_757 = arith.constant 0 : i32
        scf.yield %scan3A_757 : i32
      }
      %scan3A_364 = arith.constant 32 : i32
      %dma_start3A_365 = arith.constant 0 : i32
      %dma_start3A_366 = tpu.memref_slice %arg6[%add3A_207, %mul3A_4, %dma_start3A_365] : memref<50x1024x512xf32, #tpu.memory_space<hbm>> -> memref<1x32x512xf32, #tpu.memory_space<hbm>>
      %dma_start3A_367 = tpu.memref_squeeze %dma_start3A_366 : memref<1x32x512xf32, #tpu.memory_space<hbm>> -> memref<32x512xf32, #tpu.memory_space<hbm>>
      %dma_start3A_368 = arith.constant 0 : i32
      %dma_start3A_369 = tpu.memref_slice %arg6[%add3A_207, %mul3A_4, %dma_start3A_368] : memref<50x1024x512xf32, #tpu.memory_space<hbm>> -> memref<1x32x512xf32, #tpu.memory_space<hbm>>
      %dma_start3A_370 = tpu.memref_squeeze %dma_start3A_369 : memref<1x32x512xf32, #tpu.memory_space<hbm>> -> memref<32x512xf32, #tpu.memory_space<hbm>>
      tpu.enqueue_dma source(%arg13 : memref<32x512xf32, #tpu.memory_space<vmem>>) target(%dma_start3A_370 : memref<32x512xf32, #tpu.memory_space<hbm>>) target_semaphore(%arg19 : memref<!tpu.dma_semaphore, #tpu.memory_space<semaphore_mem>>)
      %scan3A_371 = arith.constant 0 : i32
      scf.yield %scan3A_371 : i32
    }
    %scan3A_26 = arith.constant 25 : i32
    %dma_wait3A_27 = arith.constant 48 : i32
    %dma_wait3A_28 = arith.constant 0 : i32
    %dma_wait3A_29 = tpu.memref_slice %arg6[%dma_wait3A_27, %mul3A_4, %dma_wait3A_28] : memref<50x1024x512xf32, #tpu.memory_space<hbm>> -> memref<1x32x512xf32, #tpu.memory_space<hbm>>
    %dma_wait3A_30 = tpu.memref_squeeze %dma_wait3A_29 : memref<1x32x512xf32, #tpu.memory_space<hbm>> -> memref<32x512xf32, #tpu.memory_space<hbm>>
    %dma_wait3A_31 = arith.constant 0 : i32
    %dma_wait3A_32 = tpu.memref_slice %arg6[%dma_wait3A_27, %mul3A_4, %dma_wait3A_31] : memref<50x1024x512xf32, #tpu.memory_space<hbm>> -> memref<1x32x512xf32, #tpu.memory_space<hbm>>
    %dma_wait3A_33 = tpu.memref_squeeze %dma_wait3A_32 : memref<1x32x512xf32, #tpu.memory_space<hbm>> -> memref<32x512xf32, #tpu.memory_space<hbm>>
    tpu.wait_dma2 semaphore(%arg18 : memref<!tpu.dma_semaphore, #tpu.memory_space<semaphore_mem>>) src(%arg12 : memref<32x512xf32, #tpu.memory_space<vmem>>) dst(%dma_wait3A_33 : memref<32x512xf32, #tpu.memory_space<hbm>>)
    %dma_wait3A_34 = arith.constant 49 : i32
    %dma_wait3A_35 = arith.constant 0 : i32
    %dma_wait3A_36 = tpu.memref_slice %arg6[%dma_wait3A_34, %mul3A_4, %dma_wait3A_35] : memref<50x1024x512xf32, #tpu.memory_space<hbm>> -> memref<1x32x512xf32, #tpu.memory_space<hbm>>
    %dma_wait3A_37 = tpu.memref_squeeze %dma_wait3A_36 : memref<1x32x512xf32, #tpu.memory_space<hbm>> -> memref<32x512xf32, #tpu.memory_space<hbm>>
    %dma_wait3A_38 = arith.constant 0 : i32
    %dma_wait3A_39 = tpu.memref_slice %arg6[%dma_wait3A_34, %mul3A_4, %dma_wait3A_38] : memref<50x1024x512xf32, #tpu.memory_space<hbm>> -> memref<1x32x512xf32, #tpu.memory_space<hbm>>
    %dma_wait3A_40 = tpu.memref_squeeze %dma_wait3A_39 : memref<1x32x512xf32, #tpu.memory_space<hbm>> -> memref<32x512xf32, #tpu.memory_space<hbm>>
    tpu.wait_dma2 semaphore(%arg19 : memref<!tpu.dma_semaphore, #tpu.memory_space<semaphore_mem>>) src(%arg13 : memref<32x512xf32, #tpu.memory_space<vmem>>) dst(%dma_wait3A_40 : memref<32x512xf32, #tpu.memory_space<hbm>>)
    return
  }
}

</mosaic_0001>

<sc_bundles>
// kernel: _embed_sc.3.cloned.1.call-start
scs
__scs_entry_jumppad:
0x0: {  	(pc) =	sbr.rel $0x88, $3  }
0x1: {  	(tag) =	ssettag $0x0;
	lr =	simm.s32 $0x1  }
0x2: {  	[smem:$0x3F9E] =	sst lr;
	_ =	strace $0xD0000000  }
0x3: {  	_ = 	snop  }
0x4: {  	_ = 	snop  }
0x5: {  	_ = 	snop  }
0x6: {  	_ = 	snop  }
0x7: {  	_ = 	snop  }
__scs_overlays_trampoline_lowered:
0x8: {  	[smem:$0x3FAD] =	sst s0  }
0x9: {  	[smem:$0x3FAE] =	sst s1  }
0xa: {  	[smem:$0x3FAF] =	sst s2  }
0xb: {  	[smem:$0x3FB0] =	sst s3  }
0xc: {  	[smem:$0x3FB1] =	sst s4  }
0xd: {  	[smem:$0x3FB2] =	sst s5  }
0xe: {  	[smem:$0x3FB3] =	sst s6  }
0xf: {  	[smem:$0x3FB4] =	sst s7  }
0x10: {  	[smem:$0x3FB5] =	sst s8  }
0x11: {  	[smem:$0x3FB6] =	sst s9;
	s0 =	simm.s32 @!p0 $0x0  }
0x12: {  	s1 =	sld [smem:$0x3F9C];
	s0 =	simm.s32 @p0 $0x1  }
0x13: {  	[smem:$0x3FB7] =	sst s0;
	s0 =	simm.s32 @!p1 $0x0  }
0x14: {  	s2 =	sld [smem:$0x3F9B];
	s0 =	simm.s32 @p1 $0x1  }
0x15: {  	[smem:$0x3FB8] =	sst s0;
	s0 =	simm.s32 @!p2 $0x0  }
0x16: {  	s3 =	sld [smem:$0x3FDB];
	s0 =	simm.s32 @p2 $0x1  }
0x17: {  	s4 =	simm.s32 $0x1BF5;
	[smem:$0x3FBA] =	sst s0  }
0x18: {  	s0 =	sld [smem:$0x3F9D];
	_ =	swait.ge [sflag:s4], $0x0  }
0x19: {  	s7 =	sld [smem:$0x3F9E]  }
0x1a: {  	s8 =	sadd.s32 $0xFFFFE003, lr  }
0x1b: {  	s9 =	sadd.s32 $0xFFFFFEF7, lr;
	s5 =	simm.s32 $0xFFFFFFFF;
	p2 =	slt.u32 s8, $0xFFFFF086  }
0x1c: {  	p1 =	slt.u32 s9, $0xF7A;
	s5 =	simm.s32 @!p2 $0x0  }
0x1d: {  	s5 =	simm.s32 @p1 $0x1;
	p0 =	seq.s32 s7, s2  }
0x1e: {  	s7 =	smul.u32 @!p0 $0xF7A, s2;
	p2 =	seq.s32 @!p0 s5, $0x0  }
0x1f: {  	s9 =	smul.u32 $0xF7A, s1;
	s8 =	simm.s32 @!p0 $0x1BF5;
	p2 =	por !p2, p0  }
0x20: {  	[sflag:s8] =	ssyncset.s32 @!p0 $0xFFFFF086;
	s6 =	sadd.s32 @!p0 s3, s7;
	s7 =	simm.s32 @!p0 $0x108  }
0x21: {  	s3 =	sadd.s32 s3, s9;
	s6 =	sadd.s32 @!p0 $0x88, s6;
	s7 =	simm.s32 @p2 $0x1082  }
0x22: {  	[simem:s7], [sflag:s8] =	dma.local @!p0 [hbm:s6], $0xF7A  }
0x23: {  	s9 =	sor.u32 $0xD0000000, s2;
	s6 =	simm.s32 $0x108;
	_ =	swait.ge @!p0 [sflag:s8], $0x0  }
0x24: {  	s3 =	sadd.s32 $0x88, s3;
	s6 =	simm.s32 @!p1 $0x1082;
	[sflag:s4] =	ssyncset.s32 $0xFFFFF086  }
0x25: {  	[simem:s6], [sflag:s4] =	dma.local [hbm:s3], $0xF7A  }
0x26: {  	[smem:$0x3F9E] =	sst s1;
	(tag) =	ssettag s2;
	_ =	strace s9  }
0x27: {  	s1 =	sld [smem:$0x3FAE]  }
0x28: {  	s2 =	sld [smem:$0x3FAF]  }
0x29: {  	s4 =	sld [smem:$0x3FB1]  }
0x2a: {  	p0 =	seq.s32 s5, $0x0;
	s5 =	sld [smem:$0x3FB2]  }
0x2b: {  	s6 =	sld [smem:$0x3FB3]  }
0x2c: {  	s7 =	sld [smem:$0x3FB4]  }
0x2d: {  	s3 =	simm.s32 $0x108;
	s8 =	sld [smem:$0x3FB5]  }
0x2e: {  	s3 =	simm.s32 @!p0 $0x1082;
	s9 =	sld [smem:$0x3FB6]  }
0x2f: {  	lr =	sadd.s32 s0, s3;
	s0 =	sld [smem:$0x3FAD]  }
0x30: {  	s3 =	sld [smem:$0x3FB0]  }
0x31: {  	[smem:$0x3FB9] =	sst s10  }
0x32: {  	s10 =	sld [smem:$0x3FB7];
	_ =	sdelay $0x3  }
0x33: {  	p0 =	seq.s32 s10, $0x1;
	s10 =	sld [smem:$0x3FB9];
	_ =	sdelay $0x3  }
0x34: {  	[smem:$0x3FB9] =	sst s10  }
0x35: {  	s10 =	sld [smem:$0x3FB8];
	_ =	sdelay $0x3  }
0x36: {  	p1 =	seq.s32 s10, $0x1;
	s10 =	sld [smem:$0x3FB9];
	_ =	sdelay $0x3  }
0x37: {  	[smem:$0x3FB9] =	sst s10  }
0x38: {  	s10 =	sld [smem:$0x3FBA]  }
0x39: {  	_ = 	snop;
	(pc) =	sbr.ind lr, $3  }
0x3a: {  	_ = 	snop  }
0x3b: {  	_ = 	snop  }
0x3c: {  	p2 =	seq.s32 s10, $0x1;
	s10 =	sld [smem:$0x3FB9]  }
0x3d: {  	_ =	shalt  }
0x3e: {  	_ =	shalt  }
0x3f: {  	_ =	shalt  }
0x40: {  	_ =	shalt  }
0x41: {  	_ =	shalt  }
0x42: {  	_ =	shalt  }
0x43: {  	_ =	shalt  }
0x44: {  	_ =	shalt  }
0x45: {  	_ =	shalt  }
0x46: {  	_ =	shalt  }
0x47: {  	_ =	shalt  }
0x48: {  	_ =	shalt  }
0x49: {  	_ =	shalt  }
0x4a: {  	_ =	shalt  }
0x4b: {  	_ =	shalt  }
0x4c: {  	_ =	shalt  }
0x4d: {  	_ =	shalt  }
0x4e: {  	_ =	shalt  }
0x4f: {  	_ =	shalt  }
0x50: {  	_ =	shalt  }
0x51: {  	_ =	shalt  }
0x52: {  	_ =	shalt  }
0x53: {  	_ =	shalt  }
0x54: {  	_ =	shalt  }
0x55: {  	_ =	shalt  }
0x56: {  	_ =	shalt  }
0x57: {  	_ =	shalt  }
0x58: {  	_ =	shalt  }
0x59: {  	_ =	shalt  }
0x5a: {  	_ =	shalt  }
0x5b: {  	_ =	shalt  }
0x5c: {  	_ =	shalt  }
0x5d: {  	_ =	shalt  }
0x5e: {  	_ =	shalt  }
0x5f: {  	_ =	shalt  }
0x60: {  	_ =	shalt  }
0x61: {  	_ =	shalt  }
0x62: {  	_ =	shalt  }
0x63: {  	_ =	shalt  }
0x64: {  	_ =	shalt  }
0x65: {  	_ =	shalt  }
0x66: {  	_ =	shalt  }
0x67: {  	_ =	shalt  }
0x68: {  	_ =	shalt  }
0x69: {  	_ =	shalt  }
0x6a: {  	_ =	shalt  }
0x6b: {  	_ =	shalt  }
0x6c: {  	_ =	shalt  }
0x6d: {  	_ =	shalt  }
0x6e: {  	_ =	shalt  }
0x6f: {  	_ =	shalt  }
0x70: {  	_ =	shalt  }
0x71: {  	_ =	shalt  }
0x72: {  	_ =	shalt  }
0x73: {  	_ =	shalt  }
0x74: {  	_ =	shalt  }
0x75: {  	_ =	shalt  }
0x76: {  	_ =	shalt  }
0x77: {  	_ =	shalt  }
0x78: {  	_ =	shalt  }
0x79: {  	_ =	shalt  }
0x7a: {  	_ =	shalt  }
0x7b: {  	_ =	shalt  }
0x7c: {  	_ =	shalt  }
0x7d: {  	_ =	shalt  }
0x7e: {  	_ =	shalt  }
0x7f: {  	_ =	shalt  }
0x80: {  	_ =	shalt  }
0x81: {  	_ =	shalt  }
0x82: {  	_ =	shalt  }
0x83: {  	_ =	shalt  }
0x84: {  	_ =	shalt  }
0x85: {  	_ =	shalt  }
0x86: {  	_ =	shalt  }
0x87: {  	_ =	shalt  }
.Lfunc_end0:
.L_simem_size_0:
called_computation_lowered:
.L_overlay_start_0:
0x88: {  	s2 =	sld [smem:$0x3FD9]  }
0x89: {  	s3 =	sld [smem:$0x3FFE];
	_ =	sdelay $0x1  }
0x8a: {  	s1 =	srdreg.scid  }
0x8b: {  	s0 =	sand.u32 $0x1, s1  }
0x8c: {  	s17 =	sshll.u32 s0, $0xA;
	s2 =	sadd.s32 s3, s2  }
0x8d: {  	s2 =	sadd.s32 s2, s17  }
0x8e: {  	[smem:$0x3FC5] =	sst s2  }
0x8f: {  	_ = 	snop  }
0x90: {  	s2 =	sld [smem:$0x3FC9]  }
0x91: {  	s18 =	sld [smem:$0x3FC8]  }
0x92: {  	s4 =	sld [smem:$0x3FC7]  }
0x93: {  	s5 =	sld [smem:$0x3FD0];
	(tm) =	ssettm $0x1  }
0x94: {  	s6 =	sld [smem:$0x3FFB];
	_ =	sdelay $0x3  }
0x95: {  	_ =	strace s6  }
0x96: {  	s6 =	sld [smem:$0x3FFC];
	_ =	sdelay $0x3  }
0x97: {  	_ =	strace s6  }
0x98: {  	s6 =	sld [smem:$0x3FFD];
	_ =	sdelay $0x3  }
0x99: {  	_ =	strace s6  }
0x9a: {  	_ =	strace $0x8FFFFFFF  }
0x9b: {  	s19 =	sld [smem:$0x3FDB];
	_ =	sdelay $0x1  }
0x9c: {  	s7 =	simm.s32 $_scs_section_size  }
0x9d: {  	s8 =	simm.s32 $_size__tile_overlayer_lowered;
	s9 =	simm.s32 $_tile_overlayer_lowered  }
0x9e: {  	s22 =	simm.s32 $0x1BFF;
	s21 =	sshll.u32 s9, $0x1;
	s6 =	sadd.s32 s7, s19  }
0x9f: {  	s10 =	simm.s32 $0x0;
	s20 =	sshll.u32 s8, $0x1;
	s8 =	sadd.s32 s21, s6  }
0xa0: {  	[timem:s10], [sflag:s22] =	dma.local [hbm:s8], s20  }
0xa1: {  	_ =	swait.ge [sflag:s22], s20  }
0xa2: {  	s7 =	ssub.s32 $0x0, s20;
	[sflag:s22] =	ssyncset.done $0x0  }
0xa3: {  	[sflag:s22] =	ssyncadd.s32 s7;
	_ =	sdelay $0x1  }
0xa4: {  	s23 =	simm.s32 $0x1B8B  }
0xa5: {  	_ =	swait.ge [sflag:s23], $0x1  }
0xa6: {  	[sflag:s23] =	ssyncset.done $0x0  }
0xa7: {  	s25 =	simm.s32 $0x1B8E;
	s24 =	sld [smem:$0x3FFE];
	[sflag:s23] =	ssyncadd.s32 $0xFFFFFFFF  }
0xa8: {  	s26 =	simm.s32 $execute0_lowered;
	[smem:$0x3FD2] =	sst s25  }
0xa9: {  	s8 =	sshll.u32 s26, $0x1;
	_ =	strace $0x80000046;
	[dreg:$0x1] =	wrdreg $0xFFFFFFFF  }
0xaa: {  	s28 =	simm.s32 $_size_execute0_lowered;
	s6 =	sadd.s32 s6, s8;
	[dreg:$0x0] =	wrdreg $0x0  }
0xab: {  	s8 =	sshll.u32 s28, $0x1;
	[dreg:$0x2] =	wrdreg s6  }
0xac: {  	[dreg:$0x3] =	wrdreg s8  }
0xad: {  	[dreg:$0x4] =	wrdreg $0xC0  }
0xae: {  	_ =	task [dreg:s10], $0x5FFFF  }
0xaf: {  	[dreg:$0x1] =	wrdreg $0xFFFFFFFF  }
0xb0: {  	[dreg:$0x0] =	wrdreg $0x60  }
0xb1: {  	[dreg:$0x2] =	wrdreg s2  }
0xb2: {  	[dreg:$0x3] =	wrdreg s18  }
0xb3: {  	[dreg:$0x4] =	wrdreg s4  }
0xb4: {  	[dreg:$0x5] =	wrdreg s24  }
0xb5: {  	[dreg:$0x6] =	wrdreg s5  }
0xb6: {  	[dreg:$0x7] =	wrdreg $0x9  }
0xb7: {  	_ =	task.clear_ibuf [dreg:s10], $0x8FFFF;
	_ =	strace $0x90000046  }
0xb8: {  	s29 =	simm.s32 $0x9;
	_ =	strace $0x80000048  }
0xb9: {  	_ =	swait.ge [sflag:s29], $0x1  }
0xba: {  	[sflag:s29] =	ssyncadd.s32 $0xFFFFFFFF  }
0xbb: {  	_ =	strace $0x90000048  }
0xbc: {  	_ =	sfence  }
0xbd: {  	s30 =	sld [smem:$0x0];
	_ =	sdelay $0x2  }
0xbe: {  	s31 =	sshll.u32 s1, $0xD;
	s1 =	sshrl.u32 s1, $0x2  }
0xbf: {  	s3 =	sand.u32 $0x4000, s31;
	s1 =	sadd.s32 s1, s30  }
0xc0: {  	s0 =	sor.u32 s3, s0;
	s1 =	sshll.u32 s1, $0x11  }
0xc1: {  	s0 =	sor.u32 s1, s0  }
0xc2: {  	s0 =	sadd.s32 $0x8F2B, s0  }
0xc3: {  	[sflag:s0] =	ssyncadd.remote.s32 $0x1  }
0xc4: {  	_ =	sfence.sel $0xFFFF  }
0xc5: {  	[dreg:$0x0] =	wrdreg $0xFFFFFFFF;
	(pc) =	sbr.abs _section_cstart, $3  }
0xc6: {  	[dreg:$0x1] =	wrdreg $0xFFFFFFFF  }
0xc7: {  	_ =	task.clear_ibuf [dreg:s10], $0x2FFFF;
	_ =	strace $0x9FFFFFFF  }
0xc8: {  	(tm) =	ssettm $0x7FFFFFFF  }
0xc9: {  	_ =	shalt  }
tec
execute0_lowered:
.L_overlay_start_1:
0x0: {  	(tag) =	ssettag $0x1  }
0x1: {  	s0 =	rddreg [dreg:$0x0]  }
0x2: {  	s4 =	rddreg [dreg:$0x2]  }
0x3: {  	s1 =	rddreg [dreg:$0x3];
	s2 =	srdreg.scid  }
0x4: {  	s5 =	rddreg [dreg:$0x4];
	s8 =	stileid.u32  }
0x5: {  	s6 =	simm.s32 $0x0;
	s17 =	simm.s32 $0x1;
	s29 =	simm.s32 $0x2  }
0x6: {  	s14 =	simm.s32 $0xD900;
	s16 =	simm.s32 $0xE100;
	s11 =	simm.s32 $0x3  }
0x7: {  	s13 =	simm.s32 $0xF100;
	s9 =	simm.s32 $0x4;
	s15 =	simm.s32 $0x6  }
0x8: {  	s28 =	simm.s32 $0x13100;
	s18 =	simm.s32 $0x5;
	s20 =	simm.s32 $0x0  }
0x9: {  	s2 =	sand.u32 $0x1, s2;
	s3 =	sshll.u32 s8, $0x6;
	s25 =	sshll.u32 s8, $0x9  }
0xa: {  	[smem:$0x7FF] =	sst s6;
	s1 =	sadd.s32 $0x400, s1;
	s7 =	sshll.u32 s2, $0x5  }
0xb: {  	s10 =	sadd.s32 $0x100, s4;
	s2 =	ssub.s32 $0x2, s2;
	s3 =	sor.u32 s7, s3  }
0xc: {  	_ =	strace $0x80000047;
	s26 =	sshrl.u32 s2, $0x1;
	s7 =	sor.u32 s25, s3  }
0xd: {  	[dreg:$0x6] =	wrdreg s1;
	s1 =	ssub.s32 s2, s26;
	s7 =	sand.u32 $0x1C60, s7  }
0xe: {  	s8 =	simm.s32 $0xE900;
	s1 =	smax.u32 s1, $0x1;
	s30 =	sshrl.u32 s7, $0x3  }
0xf: {  	v2 =	vlaneseq.u32;
	s12 =	sshll.u32 s3, $0x9;
	[dreg:$0x9] =	wrdreg s1;
	s31 =	sadd.s32 s0, s30  }
0x10: {  	vm0 =	vmmov $0xffff;
	v1 =	vshrl.u32 v2, $0x3;
	s3 =	simm.s32 $0xC900;
	[dreg:$0x7] =	wrdreg s31;
	s2 =	sadd.s32 $0x10, s31  }
0x11: {  	v0 =	vand.u32 $0x7, v2;
	v2 =	vor.u32 $0x8, v2;
	v1 =	vmul.u32 $0x8, v1;
	s1 =	simm.s32 $0xD100;
	[dreg:$0x8] =	wrdreg s2;
	s2 =	simm.s32 $0xC100  }
.LBB2_1:
0x12: {  	[dreg:$0xa] =	wrdreg s20  }
0x13: {  	s19 =	rddreg [dreg:$0x6];
	s23 =	simm.s32 $0x17100;
	s24 =	simm.s32 $0x8  }
0x14: {  	[tilespmem:s23], [sflag:$0x8] =	stream.linear.gather [hbm4b:s19+s6], $0x1, $0x38;
	[tilespmem:$0x17180] =	vst v63  }
0x15: {  	_ =	swait.ge [sflag:s24], $0x1  }
0x16: {  	[sflag:s24] =	ssyncset.done $0x0  }
0x17: {  	[sflag:s24] =	ssyncadd.s32 $0xFFFFFFFF  }
0x18: {  	s25 =	simm.s32 $0x100;
	s19 =	rddreg [dreg:$0x1]  }
0x19: {  	v3 =	vld.msk [tilespmem:$0x17100 ss:$0x0], $0xffff;
	[tilespmem:s25], [sflag:$0x7] =	stream.linear.gather [hbm4b:s19+s6], $0x7000, $0x38  }
0x1a: {  	s26 =	rddreg [dreg:$0x7]  }
0x1b: {  	[tilespmem:s6], [sflag:$0x1] =	stream.linear.gather [hbm4b:s26+s6], $0x20, $0x38;
	[tilespmem:$0x17180] =	vst v63  }
0x1c: {  	_ =	swait.ge [sflag:s17], $0x20  }
0x1d: {  	[sflag:s17] =	ssyncset.done $0x0  }
0x1e: {  	[sflag:s17] =	ssyncadd.s32 $0xFFFFFFE0  }
0x1f: {  	v4 =	vld [tilespmem:$0x0];
	_ =	sdelay $0x4  }
0x20: {  	v5 =	vshll.u32 v4, $0x2  }
0x21: {  	v4 =	vand.u32 $0x7, v4;
	v5 =	vand.u32 $0xFFFFFFE0, v5  }
0x22: {  	v4 =	vor.u32 v4, v5  }
0x23: {  	v5 =	vperm.xlane v4, v0;
	_ =	sdelay $0x1  }
0x24: {  	v5 =	vadd.s32 v1, v5;
	_ =	sdelay $0x1  }
0x25: {  	v4 =	vperm.xlane v4, v2;
	_ =	sdelay $0x1  }
0x26: {  	s30 =	simm.s32 $0x7100;
	v4 =	vadd.s32 v1, v4  }
0x27: {  	[tilespmem:s30], [sflag:$0x3] =	stream.indirect_vreg.gather [hbm4b:s4+s6], $0x80, v5, vm0, $0xb8;
	[tilespmem:$0x17180] =	vst v63  }
0x28: {  	s31 =	simm.s32 $0x7900  }
0x29: {  	[tilespmem:s31], [sflag:$0x3] =	stream.indirect_vreg.gather [hbm4b:s10+s6], $0x80, v5, vm0, $0xb8;
	[tilespmem:$0x17180] =	vst v63  }
0x2a: {  	s20 =	simm.s32 $0x8100  }
0x2b: {  	[tilespmem:s20], [sflag:$0x3] =	stream.indirect_vreg.gather [hbm4b:s4+s6], $0x80, v4, vm0, $0xb8;
	[tilespmem:$0x17180] =	vst v63  }
0x2c: {  	s21 =	simm.s32 $0x8900  }
0x2d: {  	[tilespmem:s21], [sflag:$0x3] =	stream.indirect_vreg.gather [hbm4b:s10+s6], $0x80, v4, vm0, $0xb8;
	[tilespmem:$0x17180] =	vst v63  }
0x2e: {  	v4 =	vld [tilespmem:$0x10];
	_ =	sdelay $0x4  }
0x2f: {  	v5 =	vshll.u32 v4, $0x2  }
0x30: {  	v4 =	vand.u32 $0x7, v4;
	v5 =	vand.u32 $0xFFFFFFE0, v5  }
0x31: {  	v4 =	vor.u32 v4, v5  }
0x32: {  	v5 =	vperm.xlane v4, v0;
	_ =	sdelay $0x1  }
0x33: {  	v5 =	vadd.s32 v1, v5;
	_ =	sdelay $0x1  }
0x34: {  	v4 =	vperm.xlane v4, v2;
	_ =	sdelay $0x1  }
0x35: {  	s22 =	simm.s32 $0x9100;
	v4 =	vadd.s32 v1, v4  }
0x36: {  	[tilespmem:s22], [sflag:$0x3] =	stream.indirect_vreg.gather [hbm4b:s4+s6], $0x80, v5, vm0, $0xb8;
	[tilespmem:$0x17180] =	vst v63  }
0x37: {  	s23 =	simm.s32 $0x9900  }
0x38: {  	[tilespmem:s23], [sflag:$0x3] =	stream.indirect_vreg.gather [hbm4b:s10+s6], $0x80, v5, vm0, $0xb8;
	[tilespmem:$0x17180] =	vst v63  }
0x39: {  	s24 =	simm.s32 $0xA100  }
0x3a: {  	[tilespmem:s24], [sflag:$0x3] =	stream.indirect_vreg.gather [hbm4b:s4+s6], $0x80, v4, vm0, $0xb8;
	[tilespmem:$0x17180] =	vst v63  }
0x3b: {  	s25 =	simm.s32 $0xA900  }
0x3c: {  	[tilespmem:s25], [sflag:$0x3] =	stream.indirect_vreg.gather [hbm4b:s10+s6], $0x80, v4, vm0, $0xb8;
	[tilespmem:$0x17180] =	vst v63  }
0x3d: {  	s26 =	rddreg [dreg:$0x8];
	s30 =	simm.s32 $0x80;
	s31 =	simm.s32 $0x7  }
0x3e: {  	[tilespmem:s30], [sflag:$0x2] =	stream.linear.gather [hbm4b:s26+s6], $0x20, $0x38;
	[tilespmem:$0x17180] =	vst v63  }
0x3f: {  	_ =	swait.ge [sflag:s31], $0x7000  }
0x40: {  	[sflag:s31] =	ssyncset.done $0x0  }
0x41: {  	s19 =	simm.s32 $0x0;
	[sflag:s31] =	ssyncadd.s32 $0xFFFF9000  }
.LBB2_2:
0x42: {  	_ =	swait.ge [sflag:s29], $0x20  }
0x43: {  	[sflag:s29] =	ssyncset.done $0x0  }
0x44: {  	[sflag:s29] =	ssyncadd.s32 $0xFFFFFFE0  }
0x45: {  	v4 =	vld [tilespmem:$0x80];
	_ =	sdelay $0x4  }
0x46: {  	v5 =	vshll.u32 v4, $0x2  }
0x47: {  	v4 =	vand.u32 $0x7, v4;
	v5 =	vand.u32 $0xFFFFFFE0, v5  }
0x48: {  	v4 =	vor.u32 v4, v5  }
0x49: {  	v5 =	vperm.xlane v4, v0;
	_ =	sdelay $0x1  }
0x4a: {  	v5 =	vadd.s32 v1, v5;
	_ =	sdelay $0x1  }
0x4b: {  	v4 =	vperm.xlane v4, v2;
	_ =	sdelay $0x1  }
0x4c: {  	s20 =	simm.s32 $0xB100;
	v4 =	vadd.s32 v1, v4  }
0x4d: {  	[tilespmem:s20], [sflag:$0x4] =	stream.indirect_vreg.gather [hbm4b:s4+s6], $0x80, v5, vm0, $0xb8;
	[tilespmem:$0x17180] =	vst v63  }
0x4e: {  	s31 =	simm.s32 $0xB900  }
0x4f: {  	[tilespmem:s31], [sflag:$0x4] =	stream.indirect_vreg.gather [hbm4b:s10+s6], $0x80, v5, vm0, $0xb8;
	[tilespmem:$0x17180] =	vst v63  }
0x50: {  	_ = 	snop  }
0x51: {  	[tilespmem:s2], [sflag:$0x4] =	stream.indirect_vreg.gather [hbm4b:s4+s6], $0x80, v4, vm0, $0xb8;
	[tilespmem:$0x17180] =	vst v63  }
0x52: {  	_ = 	snop  }
0x53: {  	[tilespmem:s3], [sflag:$0x4] =	stream.indirect_vreg.gather [hbm4b:s10+s6], $0x80, v4, vm0, $0xb8;
	[tilespmem:$0x17180] =	vst v63  }
0x54: {  	v4 =	vld [tilespmem:$0x90];
	_ =	sdelay $0x4  }
0x55: {  	v5 =	vshll.u32 v4, $0x2  }
0x56: {  	v4 =	vand.u32 $0x7, v4;
	v5 =	vand.u32 $0xFFFFFFE0, v5  }
0x57: {  	v4 =	vor.u32 v4, v5  }
0x58: {  	v5 =	vperm.xlane v4, v0;
	_ =	sdelay $0x1  }
0x59: {  	v5 =	vadd.s32 v1, v5;
	_ =	sdelay $0x1  }
0x5a: {  	v4 =	vperm.xlane v4, v2;
	_ =	sdelay $0x1  }
0x5b: {  	s22 =	sshll.u32 s19, $0x1;
	p0 =	seq.s32 s19, $0x18;
	v4 =	vadd.s32 v1, v4  }
0x5c: {  	[tilespmem:s1], [sflag:$0x4] =	stream.indirect_vreg.gather [hbm4b:s4+s6], $0x80, v5, vm0, $0xb8;
	[tilespmem:$0x17180] =	vst v63  }
0x5d: {  	s20 =	sadd.s32 @!p0 $0x2, s22  }
0x5e: {  	[tilespmem:s14], [sflag:$0x4] =	stream.indirect_vreg.gather [hbm4b:s10+s6], $0x80, v5, vm0, $0xb8;
	[tilespmem:$0x17180] =	vst v63  }
0x5f: {  	p1 =	seq.s32 @!p0 s19, $0x0;
	s21 =	sshll.u32 @!p0 s20, $0xA;
	s20 =	sshll.u32 @!p0 s20, $0x7  }
0x60: {  	[tilespmem:s16], [sflag:$0x4] =	stream.indirect_vreg.gather [hbm4b:s4+s6], $0x80, v4, vm0, $0xb8;
	[tilespmem:$0x17180] =	vst v63  }
0x61: {  	p1 =	por p0, !p1;
	s21 =	sand.u32 @!p0 $0x1E000, s21;
	s20 =	sand.u32 @!p0 $0x300, s20  }
0x62: {  	[tilespmem:s8], [sflag:$0x4] =	stream.indirect_vreg.gather [hbm4b:s10+s6], $0x80, v4, vm0, $0xb8;
	[tilespmem:$0x17180] =	vst v63  }
.Ltmp0:
0x63: {  	s20 =	sor.u32 @!p0 s21, s20;
	(pc) =	sbr.rel @!p1 .LBB2_3-.Ltmp0, $4  }
0x64: {  	s20 =	sor.u32 @!p0 s7, s20;
	_ =	swait.ge [sflag:s11], $0x4000  }
0x65: {  	s20 =	sshrl.u32 @!p0 s20, $0x3;
	[sflag:s11] =	ssyncset.done $0x0  }
0x66: {  	s21 =	simm.s32 @!p0 $0x0;
	s20 =	sadd.s32 @!p0 s0, s20;
	[sflag:s11] =	ssyncadd.s32 $0xFFFFC000  }
0x67: {  	[tilespmem:s21], [sflag:$0x1] =	stream.linear.gather @!p0 [hbm4b:s20+s21], $0x20, $0x38;
	[tilespmem:$0x17180] =	vst v63  }
.Ltmp1:
0x68: {  	(pc) =	sbr.rel .LBB2_5-.Ltmp1, $4  }
0x69: {  	_ = 	snop  }
0x6a: {  	_ =	swait.ge [sflag:s18], $0x4000  }
0x6b: {  	[sflag:s18] =	ssyncset.done $0x0  }
0x6c: {  	p0 =	por $0x0, $0x0;
	[sflag:s18] =	ssyncadd.s32 $0xFFFFC000  }
.LBB2_3:
0x6d: {  	p0 =	por @!p0 $0x1, $0x1  }
.LBB2_5:
0x6e: {  	s21 =	sshll.u32 s19, $0xA  }
0x6f: {  	s23 =	sshll.u32 s19, $0x8;
	s20 =	sand.u32 $0x7000, s21  }
0x70: {  	s24 =	sand.u32 $0x300, s23;
	s23 =	sor.u32 $0x100, s20  }
0x71: {  	s20 =	sadd.s32 s24, s23  }
0x72: {  	v34 =	vld [tilespmem:s20+$0x0]  }
0x73: {  	v33 =	vld [tilespmem:s20+$0x10]  }
0x74: {  	v32 =	vld [tilespmem:s20+$0x20]  }
0x75: {  	v31 =	vld [tilespmem:s20+$0x30]  }
0x76: {  	v30 =	vld [tilespmem:s20+$0x40]  }
0x77: {  	v29 =	vld [tilespmem:s20+$0x50]  }
0x78: {  	v28 =	vld [tilespmem:s20+$0x60]  }
0x79: {  	v27 =	vld [tilespmem:s20+$0x70]  }
0x7a: {  	v26 =	vld [tilespmem:s20+$0x400]  }
0x7b: {  	v25 =	vld [tilespmem:s20+$0x410]  }
0x7c: {  	v24 =	vld [tilespmem:s20+$0x420]  }
0x7d: {  	v23 =	vld [tilespmem:s20+$0x430]  }
0x7e: {  	v22 =	vld [tilespmem:s20+$0x440]  }
0x7f: {  	v21 =	vld [tilespmem:s20+$0x450]  }
0x80: {  	v20 =	vld [tilespmem:s20+$0x460]  }
0x81: {  	v19 =	vld [tilespmem:s20+$0x470]  }
0x82: {  	v18 =	vld [tilespmem:s20+$0x800]  }
0x83: {  	v17 =	vld [tilespmem:s20+$0x810]  }
0x84: {  	v16 =	vld [tilespmem:s20+$0x820]  }
0x85: {  	v15 =	vld [tilespmem:s20+$0x830]  }
0x86: {  	v14 =	vld [tilespmem:s20+$0x840]  }
0x87: {  	s24 =	sor.u32 s21, s24;
	v13 =	vld [tilespmem:s20+$0x850]  }
0x88: {  	v12 =	vld [tilespmem:s20+$0x860];
	s26 =	sor.u32 $0xC00, s24  }
0x89: {  	s25 =	sor.u32 $0xC10, s24;
	v10 =	vld [tilespmem:s26+$0x100]  }
0x8a: {  	v9 =	vld [tilespmem:s25+$0x100];
	s26 =	sor.u32 $0xC20, s24  }
0x8b: {  	s25 =	sor.u32 $0xC30, s24;
	v8 =	vld [tilespmem:s26+$0x100]  }
0x8c: {  	v7 =	vld [tilespmem:s25+$0x100];
	s26 =	sor.u32 $0xC40, s24  }
0x8d: {  	s25 =	sor.u32 $0xC50, s24;
	v6 =	vld [tilespmem:s26+$0x100]  }
0x8e: {  	v4 =	vld [tilespmem:s25+$0x100];
	s26 =	sor.u32 $0xC60, s24;
	s25 =	simm.s32 $0x0  }
0x8f: {  	s24 =	sor.u32 $0xC70, s24;
	v5 =	vld [tilespmem:s26+$0x100];
	s26 =	sand.u32 $0x3000, s25;
	s25 =	sand.u32 $0x380, s25  }
0x90: {  	v35 =	vld [tilespmem:s24+$0x100];
	s24 =	sor.u32 s25, s26  }
0x91: {  	v36 =	vld [tilespmem:s24+$0x7D70]  }
0x92: {  	v37 =	vld [tilespmem:s24+$0x7100]  }
0x93: {  	v38 =	vld [tilespmem:s24+$0x7110]  }
0x94: {  	v39 =	vld [tilespmem:s24+$0x7120]  }
0x95: {  	v40 =	vld [tilespmem:s24+$0x7130]  }
0x96: {  	v41 =	vld [tilespmem:s24+$0x7140]  }
0x97: {  	v42 =	vld [tilespmem:s24+$0x7150];
	v36 =	vmul.f32 v36, v3  }
0x98: {  	v43 =	vld [tilespmem:s24+$0x7160];
	v37 =	vmul.f32 v37, v3  }
0x99: {  	v44 =	vld [tilespmem:s24+$0x7170];
	v38 =	vmul.f32 v38, v3;
	v36 =	vadd.f32 v36, v35  }
0x9a: {  	v45 =	vld [tilespmem:s24+$0x7500];
	v52 =	vmul.f32 v40, v3;
	v37 =	vadd.f32 v37, v34  }
0x9b: {  	v11 =	vld [tilespmem:s20+$0x870];
	v54 =	vmul.f32 v41, v3;
	v38 =	vadd.f32 v38, v33;
	[tilespmem:s24+$0xFD70] =	vst v36  }
0x9c: {  	v63 =	vld [tilespmem:s24+$0x7570];
	v50 =	vmul.f32 v39, v3;
	v56 =	vmul.f32 v42, v3;
	v39 =	vadd.f32 v52, v31;
	[tilespmem:s24+$0xF100] =	vst v37  }
0x9d: {  	v51 =	vld [tilespmem:s24+$0x7510];
	v58 =	vmul.f32 v43, v3;
	v40 =	vadd.f32 v54, v30;
	[tilespmem:s24+$0xF110] =	vst v38  }
0x9e: {  	v53 =	vld [tilespmem:s24+$0x7520];
	v60 =	vmul.f32 v44, v3;
	v41 =	vadd.f32 v56, v29;
	[tilespmem:s24+$0xF130] =	vst v39  }
0x9f: {  	v57 =	vld [tilespmem:s24+$0x7540];
	v62 =	vmul.f32 v45, v3;
	v42 =	vadd.f32 v58, v28;
	[tilespmem:s24+$0xF140] =	vst v40  }
0xa0: {  	v55 =	vld [tilespmem:s24+$0x7530];
	v43 =	vadd.f32 v60, v27;
	[tilespmem:s24+$0xF150] =	vst v41  }
0xa1: {  	v59 =	vld [tilespmem:s24+$0x7550];
	v44 =	vadd.f32 v62, v26;
	v56 =	vmul.f32 v63, v3;
	[tilespmem:s24+$0xF160] =	vst v42  }
0xa2: {  	v61 =	vld [tilespmem:s24+$0x7560];
	v36 =	vadd.f32 v50, v32;
	v37 =	vmul.f32 v51, v3;
	[tilespmem:s24+$0xF170] =	vst v43  }
0xa3: {  	v48 =	vld [tilespmem:s24+$0x7900];
	v38 =	vmul.f32 v53, v3;
	[tilespmem:s24+$0xF500] =	vst v44;
	v41 =	vadd.f32 v56, v19  }
0xa4: {  	v49 =	vld [tilespmem:s24+$0x7910];
	v39 =	vmul.f32 v57, v3;
	[tilespmem:s24+$0xF120] =	vst v36;
	v37 =	vadd.f32 v37, v25  }
0xa5: {  	v50 =	vld [tilespmem:s24+$0x7920];
	v36 =	vmul.f32 v55, v3;
	v38 =	vadd.f32 v38, v24;
	[tilespmem:s24+$0xF570] =	vst v41  }
0xa6: {  	v52 =	vmul.f32 v59, v3;
	v51 =	vld [tilespmem:s24+$0x7930];
	v39 =	vadd.f32 v39, v22;
	[tilespmem:s24+$0xF510] =	vst v37  }
0xa7: {  	v54 =	vmul.f32 v61, v3;
	v53 =	vld [tilespmem:s24+$0x7940];
	v36 =	vadd.f32 v36, v23;
	[tilespmem:s24+$0xF520] =	vst v38  }
0xa8: {  	v58 =	vmul.f32 v48, v3;
	v55 =	vld [tilespmem:s24+$0x7950];
	v38 =	vadd.f32 v52, v21;
	[tilespmem:s24+$0xF540] =	vst v39  }
0xa9: {  	v60 =	vmul.f32 v49, v3;
	v57 =	vld [tilespmem:s24+$0x7960];
	[tilespmem:s24+$0xF530] =	vst v36;
	v36 =	vadd.f32 v54, v20  }
0xaa: {  	v59 =	vld [tilespmem:s24+$0x7970];
	v37 =	vmul.f32 v50, v3;
	[tilespmem:s24+$0xF550] =	vst v38;
	v38 =	vadd.f32 v58, v18  }
0xab: {  	v46 =	vld [tilespmem:s24+$0x7D00];
	v61 =	vmul.f32 v51, v3;
	[tilespmem:s24+$0xF560] =	vst v36;
	v36 =	vadd.f32 v60, v17  }
0xac: {  	v40 =	vmul.f32 v53, v3;
	v37 =	vadd.f32 v37, v16;
	[tilespmem:s24+$0xF900] =	vst v38;
	v38 =	vld [tilespmem:s24+$0x7D10]  }
0xad: {  	v41 =	vadd.f32 v61, v15;
	v62 =	vmul.f32 v55, v3;
	[tilespmem:s24+$0xF910] =	vst v36;
	v36 =	vld [tilespmem:s24+$0x7D20]  }
0xae: {  	v63 =	vmul.f32 v57, v3;
	v40 =	vadd.f32 v40, v14;
	[tilespmem:s24+$0xF920] =	vst v37;
	v37 =	vld [tilespmem:s24+$0x7D30]  }
0xaf: {  	s20 =	sshllo.u32 s19, $0x1;
	s26 =	simm.s32 $0x200;
	s25 =	simm.s32 $0x80;
	v39 =	vld [tilespmem:s24+$0x7D40];
	[tilespmem:s24+$0xF930] =	vst v41;
	v42 =	vadd.f32 v62, v13;
	v41 =	vmul.f32 v59, v3  }
0xb0: {  	s30 =	sand.u32 $0x3000, s26;
	s31 =	sand.u32 $0x380, s25;
	s26 =	simm.s32 $0x400;
	v43 =	vmul.f32 v46, v3;
	v44 =	vadd.f32 v63, v12;
	[tilespmem:s24+$0xF940] =	vst v40;
	v40 =	vld [tilespmem:s24+$0x7D50]  }
.LBB2_6:
0xb1: {  	p1 =	sne.s32 s26, $0x3E00;
	s30 =	sor.u32 s31, s30;
	[tilespmem:s24+$0xF950] =	vst v42;
	v41 =	vadd.f32 v41, v11;
	v38 =	vmul.f32 v38, v3;
	v42 =	vld [tilespmem:s24+$0x7D60]  }
0xb2: {  	v45 =	vld [tilespmem:s30+$0x7D70];
	[tilespmem:s24+$0xF960] =	vst v44;
	v43 =	vadd.f32 v43, v10;
	v36 =	vmul.f32 v36, v3  }
0xb3: {  	v44 =	vld [tilespmem:s30+$0x7100];
	[tilespmem:s24+$0xF970] =	vst v41;
	v38 =	vadd.f32 v38, v9;
	v37 =	vmul.f32 v37, v3  }
0xb4: {  	v41 =	vld [tilespmem:s30+$0x7110];
	[tilespmem:s24+$0xFD00] =	vst v43;
	v36 =	vadd.f32 v36, v8;
	v39 =	vmul.f32 v39, v3  }
0xb5: {  	v43 =	vld [tilespmem:s30+$0x7120];
	[tilespmem:s24+$0xFD10] =	vst v38;
	v37 =	vadd.f32 v37, v7;
	v38 =	vmul.f32 v40, v3  }
0xb6: {  	v40 =	vld [tilespmem:s30+$0x7130];
	[tilespmem:s24+$0xFD20] =	vst v36;
	v36 =	vadd.f32 v39, v6;
	v39 =	vmul.f32 v42, v3  }
0xb7: {  	v42 =	vld [tilespmem:s30+$0x7140];
	v45 =	vmul.f32 v45, v3;
	[tilespmem:s24+$0xFD30] =	vst v37;
	v37 =	vadd.f32 v38, v4  }
0xb8: {  	v38 =	vmul.f32 v44, v3;
	v44 =	vld [tilespmem:s30+$0x7150];
	[tilespmem:s24+$0xFD40] =	vst v36;
	v36 =	vadd.f32 v39, v5  }
0xb9: {  	v39 =	vmul.f32 v41, v3;
	v41 =	vld [tilespmem:s30+$0x7160];
	v45 =	vadd.f32 v45, v35;
	[tilespmem:s24+$0xFD50] =	vst v37  }
0xba: {  	v37 =	vadd.f32 v38, v34;
	v38 =	vmul.f32 v43, v3;
	v43 =	vld [tilespmem:s30+$0x7170];
	[tilespmem:s24+$0xFD60] =	vst v36;
	s24 =	smov.u32 s30  }
0xbb: {  	v36 =	vadd.f32 v39, v33;
	v39 =	vmul.f32 v40, v3;
	v40 =	vld [tilespmem:s24+$0x7500];
	[tilespmem:s24+$0xFD70] =	vst v45  }
0xbc: {  	[tilespmem:s24+$0xF100] =	vst v37;
	v37 =	vadd.f32 v38, v32;
	v38 =	vmul.f32 v42, v3;
	v42 =	vld [tilespmem:s24+$0x7510]  }
0xbd: {  	[tilespmem:s24+$0xF110] =	vst v36;
	v36 =	vadd.f32 v39, v31;
	v39 =	vmul.f32 v44, v3;
	v44 =	vld [tilespmem:s24+$0x7520]  }
0xbe: {  	[tilespmem:s24+$0xF120] =	vst v37;
	v37 =	vadd.f32 v38, v30;
	v38 =	vmul.f32 v41, v3;
	v41 =	vld [tilespmem:s24+$0x7530]  }
0xbf: {  	[tilespmem:s24+$0xF130] =	vst v36;
	v36 =	vadd.f32 v39, v29;
	v39 =	vmul.f32 v43, v3;
	v43 =	vld [tilespmem:s24+$0x7540]  }
0xc0: {  	[tilespmem:s24+$0xF140] =	vst v37;
	v37 =	vadd.f32 v38, v28;
	v38 =	vmul.f32 v40, v3;
	v40 =	vld [tilespmem:s24+$0x7550]  }
0xc1: {  	[tilespmem:s24+$0xF150] =	vst v36;
	v36 =	vadd.f32 v39, v27;
	v39 =	vmul.f32 v42, v3;
	v42 =	vld [tilespmem:s24+$0x7560]  }
0xc2: {  	[tilespmem:s24+$0xF160] =	vst v37;
	v37 =	vadd.f32 v38, v26;
	v38 =	vmul.f32 v44, v3;
	v44 =	vld [tilespmem:s24+$0x7570]  }
0xc3: {  	[tilespmem:s24+$0xF170] =	vst v36;
	v36 =	vadd.f32 v39, v25;
	v39 =	vmul.f32 v41, v3;
	v41 =	vld [tilespmem:s24+$0x7900]  }
0xc4: {  	[tilespmem:s24+$0xF500] =	vst v37;
	v37 =	vadd.f32 v38, v24;
	v38 =	vmul.f32 v43, v3;
	v43 =	vld [tilespmem:s24+$0x7910]  }
0xc5: {  	[tilespmem:s24+$0xF510] =	vst v36;
	v36 =	vadd.f32 v39, v23;
	v39 =	vmul.f32 v40, v3;
	v40 =	vld [tilespmem:s24+$0x7920]  }
0xc6: {  	[tilespmem:s24+$0xF520] =	vst v37;
	v37 =	vadd.f32 v38, v22;
	v38 =	vmul.f32 v42, v3;
	v42 =	vld [tilespmem:s24+$0x7930]  }
0xc7: {  	[tilespmem:s24+$0xF530] =	vst v36;
	v36 =	vadd.f32 v39, v21;
	v39 =	vmul.f32 v44, v3;
	v44 =	vld [tilespmem:s24+$0x7940]  }
0xc8: {  	[tilespmem:s24+$0xF540] =	vst v37;
	v37 =	vadd.f32 v38, v20;
	v38 =	vmul.f32 v41, v3;
	v41 =	vld [tilespmem:s24+$0x7950]  }
0xc9: {  	[tilespmem:s24+$0xF550] =	vst v36;
	v36 =	vadd.f32 v39, v19;
	v39 =	vmul.f32 v43, v3;
	v43 =	vld [tilespmem:s24+$0x7960]  }
0xca: {  	[tilespmem:s24+$0xF560] =	vst v37;
	v37 =	vadd.f32 v38, v18;
	v38 =	vmul.f32 v40, v3;
	v40 =	vld [tilespmem:s24+$0x7970]  }
0xcb: {  	[tilespmem:s24+$0xF570] =	vst v36;
	v36 =	vadd.f32 v39, v17;
	v39 =	vmul.f32 v42, v3;
	v45 =	vld [tilespmem:s24+$0x7D00]  }
.Ltmp2:
0xcc: {  	[tilespmem:s24+$0xF900] =	vst v37;
	v37 =	vadd.f32 v38, v16;
	v42 =	vmul.f32 v44, v3;
	v38 =	vld [tilespmem:s24+$0x7D10];
	(pc) =	sbr.rel @p1 .LBB2_6-.Ltmp2, $4  }
0xcd: {  	[tilespmem:s24+$0xF910] =	vst v36;
	v39 =	vadd.f32 v39, v15;
	v41 =	vmul.f32 v41, v3;
	v36 =	vld [tilespmem:s24+$0x7D20]  }
0xce: {  	[tilespmem:s24+$0xF920] =	vst v37;
	v44 =	vadd.f32 v42, v14;
	v43 =	vmul.f32 v43, v3;
	v37 =	vld [tilespmem:s24+$0x7D30]  }
0xcf: {  	s25 =	sadd.s32 $0x80, s25;
	[tilespmem:s24+$0xF930] =	vst v39;
	v42 =	vadd.f32 v41, v13;
	v41 =	vmul.f32 v40, v3;
	v39 =	vld [tilespmem:s24+$0x7D40]  }
0xd0: {  	s31 =	sand.u32 $0x380, s25;
	s30 =	sand.u32 $0x3000, s26;
	s26 =	sadd.s32 $0x200, s26;
	[tilespmem:s24+$0xF940] =	vst v44;
	v44 =	vadd.f32 v43, v12;
	v43 =	vmul.f32 v45, v3;
	v40 =	vld [tilespmem:s24+$0x7D50]  }
0xd1: {  	[tilespmem:s24+$0xF950] =	vst v42;
	s25 =	sor.u32 s31, s30;
	v57 =	vld [tilespmem:s24+$0x7D60];
	v41 =	vadd.f32 v41, v11;
	v38 =	vmul.f32 v38, v3  }
0xd2: {  	v45 =	vld [tilespmem:s25+$0x7D70];
	[tilespmem:s24+$0xF960] =	vst v44;
	v43 =	vadd.f32 v43, v10;
	v36 =	vmul.f32 v36, v3  }
0xd3: {  	v44 =	vld [tilespmem:s25+$0x7100];
	[tilespmem:s24+$0xF970] =	vst v41;
	v38 =	vadd.f32 v38, v9;
	v37 =	vmul.f32 v37, v3  }
0xd4: {  	v41 =	vld [tilespmem:s25+$0x7110];
	[tilespmem:s24+$0xFD00] =	vst v43;
	v36 =	vadd.f32 v36, v8;
	v39 =	vmul.f32 v39, v3  }
0xd5: {  	v43 =	vld [tilespmem:s25+$0x7120];
	[tilespmem:s24+$0xFD10] =	vst v38;
	v37 =	vadd.f32 v37, v7;
	v40 =	vmul.f32 v40, v3  }
0xd6: {  	v38 =	vld [tilespmem:s25+$0x7130];
	[tilespmem:s24+$0xFD20] =	vst v36;
	v39 =	vadd.f32 v39, v6;
	v42 =	vmul.f32 v57, v3  }
0xd7: {  	v36 =	vld [tilespmem:s25+$0x7140];
	[tilespmem:s24+$0xFD30] =	vst v37;
	v40 =	vadd.f32 v40, v4;
	v58 =	vmul.f32 v45, v3  }
0xd8: {  	v37 =	vld [tilespmem:s25+$0x7150];
	[tilespmem:s24+$0xFD40] =	vst v39;
	v44 =	vmul.f32 v44, v3;
	v42 =	vadd.f32 v42, v5  }
0xd9: {  	v59 =	vld [tilespmem:s25+$0x7160];
	[tilespmem:s24+$0xFD50] =	vst v40;
	v60 =	vmul.f32 v41, v3;
	v35 =	vadd.f32 v58, v35  }
0xda: {  	v61 =	vld [tilespmem:s25+$0x7170];
	v34 =	vadd.f32 v44, v34;
	v62 =	vmul.f32 v43, v3;
	[tilespmem:s24+$0xFD60] =	vst v42  }
0xdb: {  	v33 =	vadd.f32 v60, v33;
	v38 =	vmul.f32 v38, v3;
	v63 =	vld [tilespmem:s25+$0x7500];
	[tilespmem:s25+$0xFD70] =	vst v35  }
0xdc: {  	v42 =	vld [tilespmem:s25+$0x7510];
	[tilespmem:s25+$0xF100] =	vst v34;
	v32 =	vadd.f32 v62, v32;
	v41 =	vmul.f32 v36, v3  }
0xdd: {  	v44 =	vld [tilespmem:s25+$0x7520];
	[tilespmem:s25+$0xF110] =	vst v33;
	v31 =	vadd.f32 v38, v31;
	v43 =	vmul.f32 v37, v3  }
0xde: {  	v47 =	vld [tilespmem:s25+$0x7530];
	[tilespmem:s25+$0xF120] =	vst v32;
	v30 =	vadd.f32 v41, v30;
	v46 =	vmul.f32 v59, v3  }
0xdf: {  	v49 =	vld [tilespmem:s25+$0x7540];
	[tilespmem:s25+$0xF130] =	vst v31;
	v29 =	vadd.f32 v43, v29;
	v48 =	vmul.f32 v61, v3  }
0xe0: {  	v51 =	vld [tilespmem:s25+$0x7550];
	[tilespmem:s25+$0xF140] =	vst v30;
	v28 =	vadd.f32 v46, v28;
	v50 =	vmul.f32 v63, v3  }
0xe1: {  	v53 =	vld [tilespmem:s25+$0x7560];
	v52 =	vmul.f32 v42, v3;
	[tilespmem:s25+$0xF150] =	vst v29;
	v27 =	vadd.f32 v48, v27  }
0xe2: {  	v55 =	vld [tilespmem:s25+$0x7570];
	v54 =	vmul.f32 v44, v3;
	[tilespmem:s25+$0xF160] =	vst v28;
	v26 =	vadd.f32 v50, v26  }
0xe3: {  	v57 =	vld [tilespmem:s25+$0x7900];
	v56 =	vmul.f32 v47, v3;
	v25 =	vadd.f32 v52, v25;
	[tilespmem:s25+$0xF170] =	vst v27  }
0xe4: {  	v40 =	vld [tilespmem:s25+$0x7D00];
	v58 =	vmul.f32 v49, v3;
	v24 =	vadd.f32 v54, v24;
	[tilespmem:s25+$0xF500] =	vst v26  }
0xe5: {  	v34 =	vld [tilespmem:s25+$0x7950];
	v60 =	vmul.f32 v51, v3;
	v23 =	vadd.f32 v56, v23;
	[tilespmem:s25+$0xF510] =	vst v25  }
0xe6: {  	v36 =	vld [tilespmem:s25+$0x7960];
	v62 =	vmul.f32 v53, v3;
	v22 =	vadd.f32 v58, v22;
	[tilespmem:s25+$0xF520] =	vst v24  }
0xe7: {  	v38 =	vld [tilespmem:s25+$0x7970];
	v31 =	vmul.f32 v55, v3;
	v21 =	vadd.f32 v60, v21;
	[tilespmem:s25+$0xF530] =	vst v23  }
0xe8: {  	v59 =	vld [tilespmem:s25+$0x7910];
	v33 =	vmul.f32 v57, v3;
	v20 =	vadd.f32 v62, v20;
	[tilespmem:s25+$0xF540] =	vst v22  }
0xe9: {  	v32 =	vld [tilespmem:s25+$0x7940];
	v49 =	vmul.f32 v40, v3;
	v19 =	vadd.f32 v31, v19;
	[tilespmem:s25+$0xF550] =	vst v21  }
0xea: {  	v61 =	vld [tilespmem:s25+$0x7920];
	v43 =	vmul.f32 v34, v3;
	v18 =	vadd.f32 v33, v18;
	[tilespmem:s25+$0xF560] =	vst v20  }
0xeb: {  	v63 =	vld [tilespmem:s25+$0x7930];
	v45 =	vmul.f32 v36, v3;
	v54 =	vadd.f32 v49, v10;
	[tilespmem:s25+$0xF570] =	vst v19  }
0xec: {  	v42 =	vld [tilespmem:s25+$0x7D10];
	v47 =	vmul.f32 v38, v3;
	v13 =	vadd.f32 v43, v13;
	[tilespmem:s25+$0xF900] =	vst v18  }
0xed: {  	v44 =	vld [tilespmem:s25+$0x7D20];
	v35 =	vmul.f32 v59, v3;
	v12 =	vadd.f32 v45, v12;
	[tilespmem:s25+$0xFD00] =	vst v54  }
0xee: {  	v46 =	vld [tilespmem:s25+$0x7D30];
	v41 =	vmul.f32 v32, v3;
	v51 =	vadd.f32 v47, v11;
	[tilespmem:s25+$0xF950] =	vst v13  }
0xef: {  	v53 =	vld [tilespmem:s25+$0x7D60];
	v37 =	vmul.f32 v61, v3;
	v17 =	vadd.f32 v35, v17;
	[tilespmem:s25+$0xF960] =	vst v12  }
0xf0: {  	v48 =	vld [tilespmem:s25+$0x7D40];
	v39 =	vmul.f32 v63, v3;
	v14 =	vadd.f32 v41, v14;
	[tilespmem:s25+$0xF970] =	vst v51  }
0xf1: {  	v50 =	vld [tilespmem:s25+$0x7D50];
	v52 =	vmul.f32 v42, v3;
	v16 =	vadd.f32 v37, v16;
	[tilespmem:s25+$0xF910] =	vst v17  }
0xf2: {  	v55 =	vmul.f32 v44, v3;
	v15 =	vadd.f32 v39, v15;
	[tilespmem:s25+$0xF940] =	vst v14  }
0xf3: {  	v57 =	vmul.f32 v46, v3;
	v56 =	vadd.f32 v52, v9;
	[tilespmem:s25+$0xF920] =	vst v16  }
0xf4: {  	v63 =	vmul.f32 v53, v3;
	v58 =	vadd.f32 v55, v8;
	[tilespmem:s25+$0xF930] =	vst v15  }
0xf5: {  	v59 =	vmul.f32 v48, v3;
	v60 =	vadd.f32 v57, v7;
	[tilespmem:s25+$0xFD10] =	vst v56  }
0xf6: {  	p1 =	sne.s32 s19, $0x18;
	v61 =	vmul.f32 v50, v3;
	v5 =	vadd.f32 v63, v5;
	[tilespmem:s25+$0xFD20] =	vst v58  }
.Ltmp3:
0xf7: {  	s31 =	sshll.u32 s19, $0x14;
	v62 =	vadd.f32 v59, v6;
	[tilespmem:s25+$0xFD30] =	vst v60;
	(pc) =	sbr.rel @p1 .LBB2_9-.Ltmp3, $4  }
0xf8: {  	s24 =	sor.u32 s12, s31;
	v4 =	vadd.f32 v61, v4;
	[tilespmem:s25+$0xFD60] =	vst v5  }
0xf9: {  	s24 =	sshrl.u32 s24, $0x3;
	[tilespmem:s25+$0xFD40] =	vst v62  }
0xfa: {  	s24 =	sadd.s32 s5, s24;
	[tilespmem:s25+$0xFD50] =	vst v4  }
0xfb: {  	[hbm4b:s24+s6] =	stream.linear.scatter [tilespmem:s13], [sflag:$0x5], $0x4000, $0x38;
	[tilespmem:$0x17180] =	vst v63  }
.Ltmp4:
0xfc: {  	(pc) =	sbr.rel .LBB2_10-.Ltmp4, $4  }
0xfd: {  	_ = 	snop  }
0xfe: {  	_ =	swait.ge [sflag:s9], $0x4000  }
0xff: {  	[sflag:s9] =	ssyncset.done $0x0  }
0x100: {  	[sflag:s9] =	ssyncadd.s32 $0xFFFFC000  }
.LBB2_9:
0x101: {  	_ =	swait.ge [sflag:s17], $0x20  }
0x102: {  	[sflag:s17] =	ssyncset.done $0x0  }
0x103: {  	[sflag:s17] =	ssyncadd.s32 $0xFFFFFFE0  }
0x104: {  	v4 =	vld [tilespmem:$0x0];
	_ =	sdelay $0x4  }
0x105: {  	v5 =	vshll.u32 v4, $0x2  }
0x106: {  	v4 =	vand.u32 $0x7, v4;
	v5 =	vand.u32 $0xFFFFFFE0, v5  }
0x107: {  	v4 =	vor.u32 v4, v5  }
0x108: {  	v5 =	vperm.xlane v4, v0;
	_ =	sdelay $0x1  }
0x109: {  	v5 =	vadd.s32 v1, v5;
	_ =	sdelay $0x1  }
0x10a: {  	v4 =	vperm.xlane v4, v2;
	_ =	sdelay $0x1  }
0x10b: {  	s24 =	simm.s32 $0x7100;
	v4 =	vadd.s32 v1, v4  }
0x10c: {  	[tilespmem:s24], [sflag:$0x3] =	stream.indirect_vreg.gather [hbm4b:s4+s6], $0x80, v5, vm0, $0xb8;
	[tilespmem:$0x17180] =	vst v63  }
0x10d: {  	s31 =	simm.s32 $0x7900  }
0x10e: {  	[tilespmem:s31], [sflag:$0x3] =	stream.indirect_vreg.gather [hbm4b:s10+s6], $0x80, v5, vm0, $0xb8;
	[tilespmem:$0x17180] =	vst v63  }
0x10f: {  	s25 =	simm.s32 $0x8100  }
0x110: {  	[tilespmem:s25], [sflag:$0x3] =	stream.indirect_vreg.gather [hbm4b:s4+s6], $0x80, v4, vm0, $0xb8;
	[tilespmem:$0x17180] =	vst v63  }
0x111: {  	s26 =	simm.s32 $0x8900  }
0x112: {  	[tilespmem:s26], [sflag:$0x3] =	stream.indirect_vreg.gather [hbm4b:s10+s6], $0x80, v4, vm0, $0xb8;
	[tilespmem:$0x17180] =	vst v63  }
0x113: {  	v4 =	vld [tilespmem:$0x10];
	_ =	sdelay $0x4  }
0x114: {  	v5 =	vshll.u32 v4, $0x2  }
0x115: {  	v4 =	vand.u32 $0x7, v4;
	v5 =	vand.u32 $0xFFFFFFE0, v5  }
0x116: {  	v4 =	vor.u32 v4, v5  }
0x117: {  	v5 =	vperm.xlane v4, v0;
	_ =	sdelay $0x1  }
0x118: {  	v5 =	vadd.s32 v1, v5;
	_ =	sdelay $0x1  }
0x119: {  	v4 =	vperm.xlane v4, v2;
	_ =	sdelay $0x1  }
0x11a: {  	s30 =	simm.s32 $0x9100;
	v4 =	vadd.s32 v1, v4  }
0x11b: {  	[tilespmem:s30], [sflag:$0x3] =	stream.indirect_vreg.gather [hbm4b:s4+s6], $0x80, v5, vm0, $0xb8;
	[tilespmem:$0x17180] =	vst v63  }
0x11c: {  	s22 =	sadd.s32 $0x3, s22;
	s31 =	simm.s32 $0x9900  }
0x11d: {  	[tilespmem:s31], [sflag:$0x3] =	stream.indirect_vreg.gather [hbm4b:s10+s6], $0x80, v5, vm0, $0xb8;
	[tilespmem:$0x17180] =	vst v63  }
0x11e: {  	s25 =	simm.s32 $0xA100;
	s30 =	sshll.u32 s22, $0xA;
	s22 =	sshll.u32 s22, $0x7  }
0x11f: {  	[tilespmem:s25], [sflag:$0x3] =	stream.indirect_vreg.gather [hbm4b:s4+s6], $0x80, v4, vm0, $0xb8;
	[tilespmem:$0x17180] =	vst v63  }
0x120: {  	s26 =	simm.s32 $0xA900;
	s24 =	sand.u32 $0x1E000, s30;
	s22 =	sand.u32 $0x380, s22  }
0x121: {  	[tilespmem:s26], [sflag:$0x3] =	stream.indirect_vreg.gather [hbm4b:s10+s6], $0x80, v4, vm0, $0xb8;
	[tilespmem:$0x17180] =	vst v63  }
.Ltmp5:
0x122: {  	s22 =	sor.u32 s24, s22;
	(pc) =	sbr.rel @p0 .LBB2_11-.Ltmp5, $4  }
0x123: {  	s22 =	sor.u32 s7, s22;
	_ =	swait.ge [sflag:s9], $0x4000  }
0x124: {  	s22 =	sshrl.u32 s22, $0x3;
	[sflag:s9] =	ssyncset.done $0x0  }
0x125: {  	s31 =	simm.s32 $0x80;
	s22 =	sadd.s32 s0, s22;
	[sflag:s9] =	ssyncadd.s32 $0xFFFFC000  }
0x126: {  	[tilespmem:s31], [sflag:$0x2] =	stream.linear.gather [hbm4b:s22+s6], $0x20, $0x38;
	[tilespmem:$0x17180] =	vst v63  }
.LBB2_10:
0x127: {  	_ =	swait.ge [sflag:s15], $0x4000  }
0x128: {  	[sflag:s15] =	ssyncset.done $0x0  }
0x129: {  	[sflag:s15] =	ssyncadd.s32 $0xFFFFC000  }
.LBB2_11:
0x12a: {  	s22 =	sshll.u32 s20, $0x7  }
0x12b: {  	s22 =	sand.u32 $0x380, s22  }
0x12c: {  	s23 =	sadd.s32 s22, s23  }
0x12d: {  	v34 =	vld [tilespmem:s23+$0x0]  }
0x12e: {  	v33 =	vld [tilespmem:s23+$0x10]  }
0x12f: {  	v32 =	vld [tilespmem:s23+$0x20]  }
0x130: {  	v31 =	vld [tilespmem:s23+$0x30]  }
0x131: {  	v30 =	vld [tilespmem:s23+$0x40]  }
0x132: {  	v29 =	vld [tilespmem:s23+$0x50]  }
0x133: {  	v28 =	vld [tilespmem:s23+$0x60]  }
0x134: {  	v27 =	vld [tilespmem:s23+$0x70]  }
0x135: {  	v26 =	vld [tilespmem:s23+$0x400]  }
0x136: {  	v25 =	vld [tilespmem:s23+$0x410]  }
0x137: {  	v24 =	vld [tilespmem:s23+$0x420]  }
0x138: {  	v23 =	vld [tilespmem:s23+$0x430]  }
0x139: {  	v22 =	vld [tilespmem:s23+$0x440]  }
0x13a: {  	v21 =	vld [tilespmem:s23+$0x450]  }
0x13b: {  	v20 =	vld [tilespmem:s23+$0x460]  }
0x13c: {  	v19 =	vld [tilespmem:s23+$0x470]  }
0x13d: {  	v18 =	vld [tilespmem:s23+$0x800]  }
0x13e: {  	v17 =	vld [tilespmem:s23+$0x810]  }
0x13f: {  	v16 =	vld [tilespmem:s23+$0x820]  }
0x140: {  	v15 =	vld [tilespmem:s23+$0x830]  }
0x141: {  	v14 =	vld [tilespmem:s23+$0x840]  }
0x142: {  	v13 =	vld [tilespmem:s23+$0x850]  }
0x143: {  	s21 =	sor.u32 s21, s22;
	v12 =	vld [tilespmem:s23+$0x860]  }
0x144: {  	v11 =	vld [tilespmem:s23+$0x870];
	s22 =	sor.u32 $0xC00, s21  }
0x145: {  	s26 =	sor.u32 $0xC10, s21;
	v10 =	vld [tilespmem:s22+$0x100]  }
0x146: {  	s30 =	sor.u32 $0xC20, s21;
	v9 =	vld [tilespmem:s26+$0x100]  }
0x147: {  	s31 =	sor.u32 $0xC30, s21;
	v8 =	vld [tilespmem:s30+$0x100]  }
0x148: {  	s23 =	sor.u32 $0xC40, s21;
	v7 =	vld [tilespmem:s31+$0x100]  }
0x149: {  	s24 =	sor.u32 $0xC50, s21;
	s25 =	sor.u32 $0xC60, s21;
	v6 =	vld [tilespmem:s23+$0x100];
	s26 =	simm.s32 $0x0  }
0x14a: {  	s21 =	sor.u32 $0xC70, s21;
	v4 =	vld [tilespmem:s24+$0x100];
	s30 =	sand.u32 $0x3000, s26;
	s23 =	sand.u32 $0x380, s26  }
0x14b: {  	v35 =	vld [tilespmem:s21+$0x100];
	s21 =	sor.u32 s23, s30  }
0x14c: {  	v36 =	vld [tilespmem:s21+$0xBD70]  }
0x14d: {  	v37 =	vld [tilespmem:s21+$0xB100]  }
0x14e: {  	v38 =	vld [tilespmem:s21+$0xB110]  }
0x14f: {  	v39 =	vld [tilespmem:s21+$0xB120]  }
0x150: {  	v40 =	vld [tilespmem:s21+$0xB130]  }
0x151: {  	v41 =	vld [tilespmem:s21+$0xB140]  }
0x152: {  	v42 =	vld [tilespmem:s21+$0xB150];
	v36 =	vmul.f32 v36, v3  }
0x153: {  	v43 =	vld [tilespmem:s21+$0xB160];
	v37 =	vmul.f32 v37, v3  }
0x154: {  	v44 =	vld [tilespmem:s21+$0xB170];
	v38 =	vmul.f32 v38, v3;
	v36 =	vadd.f32 v36, v35  }
0x155: {  	v45 =	vld [tilespmem:s21+$0xB500];
	v52 =	vmul.f32 v40, v3;
	v37 =	vadd.f32 v37, v34  }
0x156: {  	v5 =	vld [tilespmem:s25+$0x100];
	v54 =	vmul.f32 v41, v3;
	v38 =	vadd.f32 v38, v33;
	[tilespmem:s21+$0x13D70] =	vst v36  }
0x157: {  	v63 =	vld [tilespmem:s21+$0xB570];
	v50 =	vmul.f32 v39, v3;
	v56 =	vmul.f32 v42, v3;
	v39 =	vadd.f32 v52, v31;
	[tilespmem:s21+$0x13100] =	vst v37  }
0x158: {  	v51 =	vld [tilespmem:s21+$0xB510];
	v58 =	vmul.f32 v43, v3;
	v40 =	vadd.f32 v54, v30;
	[tilespmem:s21+$0x13110] =	vst v38  }
0x159: {  	v53 =	vld [tilespmem:s21+$0xB520];
	v60 =	vmul.f32 v44, v3;
	v41 =	vadd.f32 v56, v29;
	[tilespmem:s21+$0x13130] =	vst v39  }
0x15a: {  	v57 =	vld [tilespmem:s21+$0xB540];
	v62 =	vmul.f32 v45, v3;
	v42 =	vadd.f32 v58, v28;
	[tilespmem:s21+$0x13140] =	vst v40  }
0x15b: {  	v55 =	vld [tilespmem:s21+$0xB530];
	v43 =	vadd.f32 v60, v27;
	[tilespmem:s21+$0x13150] =	vst v41  }
0x15c: {  	v59 =	vld [tilespmem:s21+$0xB550];
	v44 =	vadd.f32 v62, v26;
	v56 =	vmul.f32 v63, v3;
	[tilespmem:s21+$0x13160] =	vst v42  }
0x15d: {  	v61 =	vld [tilespmem:s21+$0xB560];
	v36 =	vadd.f32 v50, v32;
	v37 =	vmul.f32 v51, v3;
	[tilespmem:s21+$0x13170] =	vst v43  }
0x15e: {  	v48 =	vld [tilespmem:s21+$0xB900];
	v38 =	vmul.f32 v53, v3;
	[tilespmem:s21+$0x13500] =	vst v44;
	v41 =	vadd.f32 v56, v19  }
0x15f: {  	v49 =	vld [tilespmem:s21+$0xB910];
	v39 =	vmul.f32 v57, v3;
	[tilespmem:s21+$0x13120] =	vst v36;
	v37 =	vadd.f32 v37, v25  }
0x160: {  	v50 =	vld [tilespmem:s21+$0xB920];
	v36 =	vmul.f32 v55, v3;
	v38 =	vadd.f32 v38, v24;
	[tilespmem:s21+$0x13570] =	vst v41  }
0x161: {  	v52 =	vmul.f32 v59, v3;
	v51 =	vld [tilespmem:s21+$0xB930];
	v39 =	vadd.f32 v39, v22;
	[tilespmem:s21+$0x13510] =	vst v37  }
0x162: {  	v54 =	vmul.f32 v61, v3;
	v53 =	vld [tilespmem:s21+$0xB940];
	v36 =	vadd.f32 v36, v23;
	[tilespmem:s21+$0x13520] =	vst v38  }
0x163: {  	v58 =	vmul.f32 v48, v3;
	v55 =	vld [tilespmem:s21+$0xB950];
	v38 =	vadd.f32 v52, v21;
	[tilespmem:s21+$0x13540] =	vst v39  }
0x164: {  	v60 =	vmul.f32 v49, v3;
	v57 =	vld [tilespmem:s21+$0xB960];
	[tilespmem:s21+$0x13530] =	vst v36;
	v36 =	vadd.f32 v54, v20  }
0x165: {  	v59 =	vld [tilespmem:s21+$0xB970];
	v37 =	vmul.f32 v50, v3;
	[tilespmem:s21+$0x13550] =	vst v38;
	v38 =	vadd.f32 v58, v18  }
0x166: {  	v46 =	vld [tilespmem:s21+$0xBD00];
	v61 =	vmul.f32 v51, v3;
	[tilespmem:s21+$0x13560] =	vst v36;
	v36 =	vadd.f32 v60, v17  }
0x167: {  	v40 =	vmul.f32 v53, v3;
	v37 =	vadd.f32 v37, v16;
	[tilespmem:s21+$0x13900] =	vst v38;
	v38 =	vld [tilespmem:s21+$0xBD10]  }
0x168: {  	v41 =	vadd.f32 v61, v15;
	v62 =	vmul.f32 v55, v3;
	[tilespmem:s21+$0x13910] =	vst v36;
	v36 =	vld [tilespmem:s21+$0xBD20]  }
0x169: {  	v63 =	vmul.f32 v57, v3;
	v40 =	vadd.f32 v40, v14;
	[tilespmem:s21+$0x13920] =	vst v37;
	v37 =	vld [tilespmem:s21+$0xBD30]  }
0x16a: {  	s31 =	simm.s32 $0x200;
	s22 =	simm.s32 $0x80;
	v39 =	vld [tilespmem:s21+$0xBD40];
	[tilespmem:s21+$0x13930] =	vst v41;
	v42 =	vadd.f32 v62, v13;
	v41 =	vmul.f32 v59, v3  }
0x16b: {  	s24 =	sand.u32 $0x3000, s31;
	s25 =	sand.u32 $0x380, s22;
	s23 =	simm.s32 $0x400;
	v43 =	vmul.f32 v46, v3;
	v44 =	vadd.f32 v63, v12;
	[tilespmem:s21+$0x13940] =	vst v40;
	v40 =	vld [tilespmem:s21+$0xBD50]  }
.LBB2_12:
0x16c: {  	p0 =	sne.s32 s23, $0x3E00;
	s24 =	sor.u32 s25, s24;
	[tilespmem:s21+$0x13950] =	vst v42;
	v41 =	vadd.f32 v41, v11;
	v38 =	vmul.f32 v38, v3;
	v42 =	vld [tilespmem:s21+$0xBD60]  }
0x16d: {  	v45 =	vld [tilespmem:s24+$0xBD70];
	[tilespmem:s21+$0x13960] =	vst v44;
	v43 =	vadd.f32 v43, v10;
	v36 =	vmul.f32 v36, v3  }
0x16e: {  	v44 =	vld [tilespmem:s24+$0xB100];
	[tilespmem:s21+$0x13970] =	vst v41;
	v38 =	vadd.f32 v38, v9;
	v37 =	vmul.f32 v37, v3  }
0x16f: {  	v41 =	vld [tilespmem:s24+$0xB110];
	[tilespmem:s21+$0x13D00] =	vst v43;
	v36 =	vadd.f32 v36, v8;
	v39 =	vmul.f32 v39, v3  }
0x170: {  	v43 =	vld [tilespmem:s24+$0xB120];
	[tilespmem:s21+$0x13D10] =	vst v38;
	v37 =	vadd.f32 v37, v7;
	v38 =	vmul.f32 v40, v3  }
0x171: {  	v40 =	vld [tilespmem:s24+$0xB130];
	[tilespmem:s21+$0x13D20] =	vst v36;
	v36 =	vadd.f32 v39, v6;
	v39 =	vmul.f32 v42, v3  }
0x172: {  	v42 =	vld [tilespmem:s24+$0xB140];
	v45 =	vmul.f32 v45, v3;
	[tilespmem:s21+$0x13D30] =	vst v37;
	v37 =	vadd.f32 v38, v4  }
0x173: {  	v38 =	vmul.f32 v44, v3;
	v44 =	vld [tilespmem:s24+$0xB150];
	[tilespmem:s21+$0x13D40] =	vst v36;
	v36 =	vadd.f32 v39, v5  }
0x174: {  	v39 =	vmul.f32 v41, v3;
	v41 =	vld [tilespmem:s24+$0xB160];
	v45 =	vadd.f32 v45, v35;
	[tilespmem:s21+$0x13D50] =	vst v37  }
0x175: {  	v37 =	vadd.f32 v38, v34;
	v38 =	vmul.f32 v43, v3;
	v43 =	vld [tilespmem:s24+$0xB170];
	[tilespmem:s21+$0x13D60] =	vst v36;
	s21 =	smov.u32 s24  }
0x176: {  	v36 =	vadd.f32 v39, v33;
	v39 =	vmul.f32 v40, v3;
	v40 =	vld [tilespmem:s21+$0xB500];
	[tilespmem:s21+$0x13D70] =	vst v45  }
0x177: {  	[tilespmem:s21+$0x13100] =	vst v37;
	v37 =	vadd.f32 v38, v32;
	v38 =	vmul.f32 v42, v3;
	v42 =	vld [tilespmem:s21+$0xB510]  }
0x178: {  	[tilespmem:s21+$0x13110] =	vst v36;
	v36 =	vadd.f32 v39, v31;
	v39 =	vmul.f32 v44, v3;
	v44 =	vld [tilespmem:s21+$0xB520]  }
0x179: {  	[tilespmem:s21+$0x13120] =	vst v37;
	v37 =	vadd.f32 v38, v30;
	v38 =	vmul.f32 v41, v3;
	v41 =	vld [tilespmem:s21+$0xB530]  }
0x17a: {  	[tilespmem:s21+$0x13130] =	vst v36;
	v36 =	vadd.f32 v39, v29;
	v39 =	vmul.f32 v43, v3;
	v43 =	vld [tilespmem:s21+$0xB540]  }
0x17b: {  	[tilespmem:s21+$0x13140] =	vst v37;
	v37 =	vadd.f32 v38, v28;
	v38 =	vmul.f32 v40, v3;
	v40 =	vld [tilespmem:s21+$0xB550]  }
0x17c: {  	[tilespmem:s21+$0x13150] =	vst v36;
	v36 =	vadd.f32 v39, v27;
	v39 =	vmul.f32 v42, v3;
	v42 =	vld [tilespmem:s21+$0xB560]  }
0x17d: {  	[tilespmem:s21+$0x13160] =	vst v37;
	v37 =	vadd.f32 v38, v26;
	v38 =	vmul.f32 v44, v3;
	v44 =	vld [tilespmem:s21+$0xB570]  }
0x17e: {  	[tilespmem:s21+$0x13170] =	vst v36;
	v36 =	vadd.f32 v39, v25;
	v39 =	vmul.f32 v41, v3;
	v41 =	vld [tilespmem:s21+$0xB900]  }
0x17f: {  	[tilespmem:s21+$0x13500] =	vst v37;
	v37 =	vadd.f32 v38, v24;
	v38 =	vmul.f32 v43, v3;
	v43 =	vld [tilespmem:s21+$0xB910]  }
0x180: {  	[tilespmem:s21+$0x13510] =	vst v36;
	v36 =	vadd.f32 v39, v23;
	v39 =	vmul.f32 v40, v3;
	v40 =	vld [tilespmem:s21+$0xB920]  }
0x181: {  	[tilespmem:s21+$0x13520] =	vst v37;
	v37 =	vadd.f32 v38, v22;
	v38 =	vmul.f32 v42, v3;
	v42 =	vld [tilespmem:s21+$0xB930]  }
0x182: {  	[tilespmem:s21+$0x13530] =	vst v36;
	v36 =	vadd.f32 v39, v21;
	v39 =	vmul.f32 v44, v3;
	v44 =	vld [tilespmem:s21+$0xB940]  }
0x183: {  	[tilespmem:s21+$0x13540] =	vst v37;
	v37 =	vadd.f32 v38, v20;
	v38 =	vmul.f32 v41, v3;
	v41 =	vld [tilespmem:s21+$0xB950]  }
0x184: {  	[tilespmem:s21+$0x13550] =	vst v36;
	v36 =	vadd.f32 v39, v19;
	v39 =	vmul.f32 v43, v3;
	v43 =	vld [tilespmem:s21+$0xB960]  }
0x185: {  	[tilespmem:s21+$0x13560] =	vst v37;
	v37 =	vadd.f32 v38, v18;
	v38 =	vmul.f32 v40, v3;
	v40 =	vld [tilespmem:s21+$0xB970]  }
0x186: {  	[tilespmem:s21+$0x13570] =	vst v36;
	v36 =	vadd.f32 v39, v17;
	v39 =	vmul.f32 v42, v3;
	v45 =	vld [tilespmem:s21+$0xBD00]  }
.Ltmp6:
0x187: {  	[tilespmem:s21+$0x13900] =	vst v37;
	v37 =	vadd.f32 v38, v16;
	v42 =	vmul.f32 v44, v3;
	v38 =	vld [tilespmem:s21+$0xBD10];
	(pc) =	sbr.rel @p0 .LBB2_12-.Ltmp6, $4  }
0x188: {  	[tilespmem:s21+$0x13910] =	vst v36;
	v39 =	vadd.f32 v39, v15;
	v41 =	vmul.f32 v41, v3;
	v36 =	vld [tilespmem:s21+$0xBD20]  }
0x189: {  	[tilespmem:s21+$0x13920] =	vst v37;
	v44 =	vadd.f32 v42, v14;
	v43 =	vmul.f32 v43, v3;
	v37 =	vld [tilespmem:s21+$0xBD30]  }
0x18a: {  	s22 =	sadd.s32 $0x80, s22;
	[tilespmem:s21+$0x13930] =	vst v39;
	v42 =	vadd.f32 v41, v13;
	v41 =	vmul.f32 v40, v3;
	v39 =	vld [tilespmem:s21+$0xBD40]  }
0x18b: {  	s25 =	sand.u32 $0x380, s22;
	s24 =	sand.u32 $0x3000, s23;
	s23 =	sadd.s32 $0x200, s23;
	[tilespmem:s21+$0x13940] =	vst v44;
	v44 =	vadd.f32 v43, v12;
	v43 =	vmul.f32 v45, v3;
	v40 =	vld [tilespmem:s21+$0xBD50]  }
0x18c: {  	[tilespmem:s21+$0x13950] =	vst v42;
	s22 =	sor.u32 s25, s24;
	v57 =	vld [tilespmem:s21+$0xBD60];
	v41 =	vadd.f32 v41, v11;
	v38 =	vmul.f32 v38, v3  }
0x18d: {  	v45 =	vld [tilespmem:s22+$0xBD70];
	[tilespmem:s21+$0x13960] =	vst v44;
	v43 =	vadd.f32 v43, v10;
	v36 =	vmul.f32 v36, v3  }
0x18e: {  	v44 =	vld [tilespmem:s22+$0xB100];
	[tilespmem:s21+$0x13970] =	vst v41;
	v38 =	vadd.f32 v38, v9;
	v37 =	vmul.f32 v37, v3  }
0x18f: {  	v41 =	vld [tilespmem:s22+$0xB110];
	[tilespmem:s21+$0x13D00] =	vst v43;
	v36 =	vadd.f32 v36, v8;
	v39 =	vmul.f32 v39, v3  }
0x190: {  	v43 =	vld [tilespmem:s22+$0xB120];
	[tilespmem:s21+$0x13D10] =	vst v38;
	v37 =	vadd.f32 v37, v7;
	v40 =	vmul.f32 v40, v3  }
0x191: {  	v38 =	vld [tilespmem:s22+$0xB130];
	[tilespmem:s21+$0x13D20] =	vst v36;
	v39 =	vadd.f32 v39, v6;
	v42 =	vmul.f32 v57, v3  }
0x192: {  	v36 =	vld [tilespmem:s22+$0xB140];
	[tilespmem:s21+$0x13D30] =	vst v37;
	v40 =	vadd.f32 v40, v4;
	v58 =	vmul.f32 v45, v3  }
0x193: {  	v37 =	vld [tilespmem:s22+$0xB150];
	[tilespmem:s21+$0x13D40] =	vst v39;
	v44 =	vmul.f32 v44, v3;
	v42 =	vadd.f32 v42, v5  }
0x194: {  	v59 =	vld [tilespmem:s22+$0xB160];
	[tilespmem:s21+$0x13D50] =	vst v40;
	v60 =	vmul.f32 v41, v3;
	v35 =	vadd.f32 v58, v35  }
0x195: {  	v61 =	vld [tilespmem:s22+$0xB170];
	v34 =	vadd.f32 v44, v34;
	v62 =	vmul.f32 v43, v3;
	[tilespmem:s21+$0x13D60] =	vst v42  }
0x196: {  	v33 =	vadd.f32 v60, v33;
	v38 =	vmul.f32 v38, v3;
	v63 =	vld [tilespmem:s22+$0xB500];
	[tilespmem:s22+$0x13D70] =	vst v35  }
0x197: {  	v42 =	vld [tilespmem:s22+$0xB510];
	[tilespmem:s22+$0x13100] =	vst v34;
	v32 =	vadd.f32 v62, v32;
	v41 =	vmul.f32 v36, v3  }
0x198: {  	v44 =	vld [tilespmem:s22+$0xB520];
	[tilespmem:s22+$0x13110] =	vst v33;
	v31 =	vadd.f32 v38, v31;
	v43 =	vmul.f32 v37, v3  }
0x199: {  	v47 =	vld [tilespmem:s22+$0xB530];
	[tilespmem:s22+$0x13120] =	vst v32;
	v30 =	vadd.f32 v41, v30;
	v46 =	vmul.f32 v59, v3  }
0x19a: {  	v49 =	vld [tilespmem:s22+$0xB540];
	[tilespmem:s22+$0x13130] =	vst v31;
	v29 =	vadd.f32 v43, v29;
	v48 =	vmul.f32 v61, v3  }
0x19b: {  	v51 =	vld [tilespmem:s22+$0xB550];
	[tilespmem:s22+$0x13140] =	vst v30;
	v28 =	vadd.f32 v46, v28;
	v50 =	vmul.f32 v63, v3  }
0x19c: {  	v53 =	vld [tilespmem:s22+$0xB560];
	v52 =	vmul.f32 v42, v3;
	[tilespmem:s22+$0x13150] =	vst v29;
	v27 =	vadd.f32 v48, v27  }
0x19d: {  	v55 =	vld [tilespmem:s22+$0xB570];
	v54 =	vmul.f32 v44, v3;
	[tilespmem:s22+$0x13160] =	vst v28;
	v26 =	vadd.f32 v50, v26  }
0x19e: {  	v57 =	vld [tilespmem:s22+$0xB900];
	v56 =	vmul.f32 v47, v3;
	v25 =	vadd.f32 v52, v25;
	[tilespmem:s22+$0x13170] =	vst v27  }
0x19f: {  	v40 =	vld [tilespmem:s22+$0xBD00];
	v58 =	vmul.f32 v49, v3;
	v24 =	vadd.f32 v54, v24;
	[tilespmem:s22+$0x13500] =	vst v26  }
0x1a0: {  	v34 =	vld [tilespmem:s22+$0xB950];
	v60 =	vmul.f32 v51, v3;
	v23 =	vadd.f32 v56, v23;
	[tilespmem:s22+$0x13510] =	vst v25  }
0x1a1: {  	v36 =	vld [tilespmem:s22+$0xB960];
	v62 =	vmul.f32 v53, v3;
	v22 =	vadd.f32 v58, v22;
	[tilespmem:s22+$0x13520] =	vst v24  }
0x1a2: {  	v38 =	vld [tilespmem:s22+$0xB970];
	v31 =	vmul.f32 v55, v3;
	v21 =	vadd.f32 v60, v21;
	[tilespmem:s22+$0x13530] =	vst v23  }
0x1a3: {  	v59 =	vld [tilespmem:s22+$0xB910];
	v33 =	vmul.f32 v57, v3;
	v20 =	vadd.f32 v62, v20;
	[tilespmem:s22+$0x13540] =	vst v22  }
0x1a4: {  	v32 =	vld [tilespmem:s22+$0xB940];
	v49 =	vmul.f32 v40, v3;
	v19 =	vadd.f32 v31, v19;
	[tilespmem:s22+$0x13550] =	vst v21  }
0x1a5: {  	v61 =	vld [tilespmem:s22+$0xB920];
	v43 =	vmul.f32 v34, v3;
	v18 =	vadd.f32 v33, v18;
	[tilespmem:s22+$0x13560] =	vst v20  }
0x1a6: {  	v63 =	vld [tilespmem:s22+$0xB930];
	v45 =	vmul.f32 v36, v3;
	v54 =	vadd.f32 v49, v10;
	[tilespmem:s22+$0x13570] =	vst v19  }
0x1a7: {  	v42 =	vld [tilespmem:s22+$0xBD10];
	v47 =	vmul.f32 v38, v3;
	v13 =	vadd.f32 v43, v13;
	[tilespmem:s22+$0x13900] =	vst v18  }
0x1a8: {  	v44 =	vld [tilespmem:s22+$0xBD20];
	v35 =	vmul.f32 v59, v3;
	v12 =	vadd.f32 v45, v12;
	[tilespmem:s22+$0x13D00] =	vst v54  }
0x1a9: {  	v46 =	vld [tilespmem:s22+$0xBD30];
	v41 =	vmul.f32 v32, v3;
	v51 =	vadd.f32 v47, v11;
	[tilespmem:s22+$0x13950] =	vst v13  }
0x1aa: {  	v53 =	vld [tilespmem:s22+$0xBD60];
	v37 =	vmul.f32 v61, v3;
	v17 =	vadd.f32 v35, v17;
	[tilespmem:s22+$0x13960] =	vst v12  }
0x1ab: {  	v48 =	vld [tilespmem:s22+$0xBD40];
	v39 =	vmul.f32 v63, v3;
	v14 =	vadd.f32 v41, v14;
	[tilespmem:s22+$0x13970] =	vst v51  }
0x1ac: {  	v50 =	vld [tilespmem:s22+$0xBD50];
	v52 =	vmul.f32 v42, v3;
	v16 =	vadd.f32 v37, v16;
	[tilespmem:s22+$0x13910] =	vst v17  }
0x1ad: {  	v55 =	vmul.f32 v44, v3;
	v15 =	vadd.f32 v39, v15;
	[tilespmem:s22+$0x13940] =	vst v14  }
0x1ae: {  	v57 =	vmul.f32 v46, v3;
	v56 =	vadd.f32 v52, v9;
	[tilespmem:s22+$0x13920] =	vst v16  }
0x1af: {  	v63 =	vmul.f32 v53, v3;
	v58 =	vadd.f32 v55, v8;
	[tilespmem:s22+$0x13930] =	vst v15  }
0x1b0: {  	s19 =	sadd.s32 $0x1, s19;
	v59 =	vmul.f32 v48, v3;
	v60 =	vadd.f32 v57, v7;
	[tilespmem:s22+$0x13D10] =	vst v56  }
0x1b1: {  	p0 =	sne.s32 s19, $0x19;
	v61 =	vmul.f32 v50, v3;
	v5 =	vadd.f32 v63, v5;
	[tilespmem:s22+$0x13D20] =	vst v58  }
.Ltmp7:
0x1b2: {  	s20 =	sshll.u32 s20, $0x13;
	v62 =	vadd.f32 v59, v6;
	[tilespmem:s22+$0x13D30] =	vst v60;
	(pc) =	sbr.rel @p0 .LBB2_2-.Ltmp7, $4  }
0x1b3: {  	s20 =	sor.u32 s12, s20;
	v4 =	vadd.f32 v61, v4;
	[tilespmem:s22+$0x13D60] =	vst v5  }
0x1b4: {  	s20 =	sshrl.u32 s20, $0x3;
	[tilespmem:s22+$0x13D40] =	vst v62  }
0x1b5: {  	s20 =	sadd.s32 s5, s20;
	[tilespmem:s22+$0x13D50] =	vst v4  }
0x1b6: {  	[hbm4b:s20+s6] =	stream.linear.scatter [tilespmem:s28], [sflag:$0x6], $0x4000, $0x38;
	[tilespmem:$0x17180] =	vst v63  }
0x1b7: {  	_ =	swait.ge [sflag:s18], $0x4000  }
0x1b8: {  	[sflag:s18] =	ssyncset.done $0x0  }
0x1b9: {  	[sflag:s18] =	ssyncadd.s32 $0xFFFFC000  }
0x1ba: {  	_ =	swait.ge [sflag:s15], $0x4000  }
0x1bb: {  	s20 =	rddreg [dreg:$0xa]  }
0x1bc: {  	s19 =	rddreg [dreg:$0x9];
	s20 =	sadd.s32 $0x1, s20  }
0x1bd: {  	p0 =	sne.s32 s20, s19  }
.Ltmp8:
0x1be: {  	_ = 	snop;
	(pc) =	sbr.rel @p0 .LBB2_1-.Ltmp8, $3  }
0x1bf: {  	_ =	sdelay $0x1  }
0x1c0: {  	[sflag:s15] =	ssyncset.done $0x0  }
0x1c1: {  	[sflag:s15] =	ssyncadd.s32 $0xFFFFC000  }
0x1c2: {  	_ =	sfence.sel $0x180000  }
0x1c3: {  	[bflag:$0x0] =	sbarrier.arrive $0xFFFF  }
0x1c4: {  	_ =	strace $0x90000047  }
0x1c5: {  	s0 =	stileid.u32;
	[bflag:$0x2] =	sbarrier.arrive $0xFFFF  }
0x1c6: {  	p0 =	sne.s32 s0, $0x0;
	s0 =	rddreg [dreg:$0x5]  }
0x1c7: {  	s0 =	sadd.s32 @!p0 $0x100000, s0  }
0x1c8: {  	[sflag:s0] =	ssyncadd.tile.s32 @!p0 $0x1;
	_ =	shalt  }
.Lfunc_end2:
_tile_overlayer_lowered:
.L_overlay_start_2:
0x1c9: {  	(tag) =	ssettag $0x2  }
0x1ca: {  	s0 =	rddreg [dreg:$0x0];
	s2 =	stileid.u32  }
0x1cb: {  	s1 =	rddreg [dreg:$0x1];
	p0 =	sne.s32 s2, $0x0  }
0x1cc: {  	s3 =	rddreg [dreg:$0x2];
	[bflag:$0x3] =	sbarrier.arrive $0xFFFF;
	s2 =	simm.s32 @!p0 $0x1C08  }
0x1cd: {  	[timem:s3], [sflag:s2] =	dma.local @!p0 [hbm:s0], s1  }
0x1ce: {  	s0 =	simm.s32 @!p0 $0x8  }
0x1cf: {  	_ =	swait.ge @!p0 [sflag:s0], s1  }
0x1d0: {  	s1 =	ssub.s32 @!p0 $0x0, s1;
	[sflag:s0] =	ssyncset.done @!p0 $0x0  }
0x1d1: {  	[sflag:s0] =	ssyncadd.s32 @!p0 s1  }
0x1d2: {  	[bflag:$0x3] =	sbarrier.arrive $0xFFFF  }
0x1d3: {  	_ =	shalt  }

</sc_bundles>
